<compile_context>
chip_gen: v7x
topology: tpu7x:2x2x1
jax: 0.10.2.dev20260603
libtpu: 0.0.44.dev20260713+nightly
codegen_flags: <defaults>
</compile_context>

<pallas_src>
import jax
import jax.numpy as jnp
from jax import lax
from jax.experimental import pallas as pl
from jax.experimental.pallas import tpu as pltpu, tpu_sc as plsc

MASK = 103.0

B = 8192
D = 2048
NC = 2
NS = 16
NW = NC * NS
RPW = B // NW
CHUNK = 8
NCHUNK = RPW // CHUNK
NBUF = 7
L = 16


def _body(x_hbm, idx_hbm, out_hbm, idx_v, *rest):
    bufs = rest[:NBUF]
    isems = rest[NBUF:2 * NBUF]
    osems = rest[2 * NBUF:3 * NBUF]

    wid = lax.axis_index("s") * NC + lax.axis_index("c")
    base = wid * RPW

    in_dma = [None] * NBUF
    out_dma = [None] * NBUF

    def gather(c, b):
        return pltpu.async_copy(
            x_hbm.at[pl.ds(base + c * CHUNK, CHUNK), :], bufs[b], isems[b])

    def scatter(c, b):
        return pltpu.async_copy(
            bufs[b], out_hbm.at[pl.ds(base + c * CHUNK, CHUNK), :], osems[b])

    for c in range(min(NBUF, NCHUNK)):
        in_dma[c] = gather(c, c)

    pltpu.sync_copy(idx_hbm.at[pl.ds(base, RPW)], idx_v.at[pl.ds(0, RPW)])
    idx_v[pl.ds(RPW, L)] = jnp.zeros((L,), dtype=jnp.int32)

    rows = lax.iota(jnp.int32, L)
    lane_ok = rows < CHUNK
    vals = jnp.full((L,), MASK, dtype=jnp.float32)

    for c in range(NCHUNK):
        b = c % NBUF
        n = c + 1
        if NBUF <= n < NCHUNK:
            nb = n % NBUF
            out_dma[nb].wait()
            in_dma[nb] = gather(n, nb)
        in_dma[b].wait()
        cols = idx_v[pl.ds(c * CHUNK, L)]
        plsc.store_scatter(bufs[b], [rows, cols], vals, mask=lane_ok)
        out_dma[b] = scatter(c, b)

    for k in range(min(NBUF, NCHUNK)):
        out_dma[(NCHUNK - 1 - k) % NBUF].wait()


_sc_mask = pl.kernel(
    _body,
    out_type=jax.ShapeDtypeStruct((B, D), jnp.float32),
    mesh=plsc.VectorSubcoreMesh(core_axis_name="c", subcore_axis_name="s"),
    compiler_params=pltpu.CompilerParams(needs_layout_passes=False),
    scratch_types=(
        [pltpu.VMEM((RPW + L,), jnp.int32)]
        + [pltpu.VMEM((CHUNK, D), jnp.float32) for _ in range(NBUF)]
        + [pltpu.SemaphoreType.DMA for _ in range(2 * NBUF)]
    ),
)


@jax.jit
def kernel(x, idx):
    cols = idx.reshape(B).astype(jnp.int32)
    return _sc_mask(x, cols)

# --- scband reference (transcript-rebuilt; emitter-appended) ---
"""Pipeline reference for scband-language-masking-15341623181357 (READ-ONLY COPY).

The authoritative reference and input builder live on the scoring server;
editing this copy changes nothing except your own understanding.
"""

import jax, jax.numpy as jnp
import numpy as np

MASK_VALUE = 103.0

def setup_inputs(seed: int = 0) -> dict:
    key = jax.random.key(seed)
    k1, k2 = jax.random.split(key)
    x = jax.random.normal(k1, (8192, 2048), dtype=jnp.float32)
    idx = jax.random.randint(k2, (8192, 1), 0, 2048).astype(jnp.int64)
    return {"x": x, "idx": idx}

def reference(x, idx):
    # Per-batch-element tensor_scatter_nd_update: replace one position per row
    # with MASK_VALUE (training branch of in_train_phase).
    B = x.shape[0]
    rows = jnp.arange(B)
    cols = idx[:, 0]
    masked = x.at[rows, cols].set(jnp.float32(MASK_VALUE))
    return masked

if __name__ == "__main__":
    import jax
    _d = setup_inputs()
    print(jax.jit(kernel)(*tuple(_d.values())))

</pallas_src>

<mosaic_0001>
#map = affine_map<(d0, d1) -> (0, 0)>
#map1 = affine_map<(d0, d1) -> (0)>
module attributes {stable_mosaic.version = 14 : i64} {
  func.func @_body(%arg0: i32, %arg1: i32, %arg2: memref<8192x2048xf32, #tpu.memory_space<hbm>>, %arg3: memref<8192xi32, #tpu.memory_space<hbm>>, %arg4: memref<8192x2048xf32, #tpu.memory_space<hbm>>, %arg5: memref<272xi32, #tpu.memory_space<vmem>>, %arg6: memref<8x2048xf32, #tpu.memory_space<vmem>>, %arg7: memref<8x2048xf32, #tpu.memory_space<vmem>>, %arg8: memref<8x2048xf32, #tpu.memory_space<vmem>>, %arg9: memref<8x2048xf32, #tpu.memory_space<vmem>>, %arg10: memref<8x2048xf32, #tpu.memory_space<vmem>>, %arg11: memref<8x2048xf32, #tpu.memory_space<vmem>>, %arg12: memref<8x2048xf32, #tpu.memory_space<vmem>>, %arg13: memref<!tpu.dma_semaphore, #tpu.memory_space<semaphore_mem>>, %arg14: memref<!tpu.dma_semaphore, #tpu.memory_space<semaphore_mem>>, %arg15: memref<!tpu.dma_semaphore, #tpu.memory_space<semaphore_mem>>, %arg16: memref<!tpu.dma_semaphore, #tpu.memory_space<semaphore_mem>>, %arg17: memref<!tpu.dma_semaphore, #tpu.memory_space<semaphore_mem>>, %arg18: memref<!tpu.dma_semaphore, #tpu.memory_space<semaphore_mem>>, %arg19: memref<!tpu.dma_semaphore, #tpu.memory_space<semaphore_mem>>, %arg20: memref<!tpu.dma_semaphore, #tpu.memory_space<semaphore_mem>>, %arg21: memref<!tpu.dma_semaphore, #tpu.memory_space<semaphore_mem>>, %arg22: memref<!tpu.dma_semaphore, #tpu.memory_space<semaphore_mem>>, %arg23: memref<!tpu.dma_semaphore, #tpu.memory_space<semaphore_mem>>, %arg24: memref<!tpu.dma_semaphore, #tpu.memory_space<semaphore_mem>>, %arg25: memref<!tpu.dma_semaphore, #tpu.memory_space<semaphore_mem>>, %arg26: memref<!tpu.dma_semaphore, #tpu.memory_space<semaphore_mem>>) attributes {dimension_semantics = [#tpu.dimension_semantics<core_parallel>, #tpu.dimension_semantics<subcore_parallel>], iteration_bounds = array<i64: 2, 16>, scalar_prefetch = 0 : i64, scratch_operands = 22 : i64, tpu.core_type = #tpu.core_type<sc_vector_subcore>, window_params = [{transform_indices = #map}, {transform_indices = #map1}, {transform_indices = #map}]} {
    %mul3A = arith.constant 2 : i32
    %mul3A_0 = arith.muli %arg1, %mul3A : i32
    %add3A = arith.addi %mul3A_0, %arg0 : i32
    %mul3A_1 = arith.constant 256 : i32
    %mul3A_2 = arith.muli %add3A, %mul3A_1 : i32
    %add3A_3 = arith.constant 0 : i32
    %add3A_4 = arith.addi %mul3A_2, %add3A_3 : i32
    %dma_start3A = arith.constant 0 : i32
    %dma_start3A_5 = tpu.memref_slice %arg2[%add3A_4, %dma_start3A] : memref<8192x2048xf32, #tpu.memory_space<hbm>> -> memref<8x2048xf32, #tpu.memory_space<hbm>>
    %dma_start3A_6 = arith.constant 0 : i32
    %dma_start3A_7 = tpu.memref_slice %arg2[%add3A_4, %dma_start3A_6] : memref<8192x2048xf32, #tpu.memory_space<hbm>> -> memref<8x2048xf32, #tpu.memory_space<hbm>>
    tpu.enqueue_dma source(%dma_start3A_7 : memref<8x2048xf32, #tpu.memory_space<hbm>>) target(%arg6 : memref<8x2048xf32, #tpu.memory_space<vmem>>) target_semaphore(%arg13 : memref<!tpu.dma_semaphore, #tpu.memory_space<semaphore_mem>>)
    %add3A_8 = arith.constant 8 : i32
    %add3A_9 = arith.addi %mul3A_2, %add3A_8 : i32
    %dma_start3A_10 = arith.constant 0 : i32
    %dma_start3A_11 = tpu.memref_slice %arg2[%add3A_9, %dma_start3A_10] : memref<8192x2048xf32, #tpu.memory_space<hbm>> -> memref<8x2048xf32, #tpu.memory_space<hbm>>
    %dma_start3A_12 = arith.constant 0 : i32
    %dma_start3A_13 = tpu.memref_slice %arg2[%add3A_9, %dma_start3A_12] : memref<8192x2048xf32, #tpu.memory_space<hbm>> -> memref<8x2048xf32, #tpu.memory_space<hbm>>
    tpu.enqueue_dma source(%dma_start3A_13 : memref<8x2048xf32, #tpu.memory_space<hbm>>) target(%arg7 : memref<8x2048xf32, #tpu.memory_space<vmem>>) target_semaphore(%arg14 : memref<!tpu.dma_semaphore, #tpu.memory_space<semaphore_mem>>)
    %add3A_14 = arith.constant 16 : i32
    %add3A_15 = arith.addi %mul3A_2, %add3A_14 : i32
    %dma_start3A_16 = arith.constant 0 : i32
    %dma_start3A_17 = tpu.memref_slice %arg2[%add3A_15, %dma_start3A_16] : memref<8192x2048xf32, #tpu.memory_space<hbm>> -> memref<8x2048xf32, #tpu.memory_space<hbm>>
    %dma_start3A_18 = arith.constant 0 : i32
    %dma_start3A_19 = tpu.memref_slice %arg2[%add3A_15, %dma_start3A_18] : memref<8192x2048xf32, #tpu.memory_space<hbm>> -> memref<8x2048xf32, #tpu.memory_space<hbm>>
    tpu.enqueue_dma source(%dma_start3A_19 : memref<8x2048xf32, #tpu.memory_space<hbm>>) target(%arg8 : memref<8x2048xf32, #tpu.memory_space<vmem>>) target_semaphore(%arg15 : memref<!tpu.dma_semaphore, #tpu.memory_space<semaphore_mem>>)
    %add3A_20 = arith.constant 24 : i32
    %add3A_21 = arith.addi %mul3A_2, %add3A_20 : i32
    %dma_start3A_22 = arith.constant 0 : i32
    %dma_start3A_23 = tpu.memref_slice %arg2[%add3A_21, %dma_start3A_22] : memref<8192x2048xf32, #tpu.memory_space<hbm>> -> memref<8x2048xf32, #tpu.memory_space<hbm>>
    %dma_start3A_24 = arith.constant 0 : i32
    %dma_start3A_25 = tpu.memref_slice %arg2[%add3A_21, %dma_start3A_24] : memref<8192x2048xf32, #tpu.memory_space<hbm>> -> memref<8x2048xf32, #tpu.memory_space<hbm>>
    tpu.enqueue_dma source(%dma_start3A_25 : memref<8x2048xf32, #tpu.memory_space<hbm>>) target(%arg9 : memref<8x2048xf32, #tpu.memory_space<vmem>>) target_semaphore(%arg16 : memref<!tpu.dma_semaphore, #tpu.memory_space<semaphore_mem>>)
    %add3A_26 = arith.constant 32 : i32
    %add3A_27 = arith.addi %mul3A_2, %add3A_26 : i32
    %dma_start3A_28 = arith.constant 0 : i32
    %dma_start3A_29 = tpu.memref_slice %arg2[%add3A_27, %dma_start3A_28] : memref<8192x2048xf32, #tpu.memory_space<hbm>> -> memref<8x2048xf32, #tpu.memory_space<hbm>>
    %dma_start3A_30 = arith.constant 0 : i32
    %dma_start3A_31 = tpu.memref_slice %arg2[%add3A_27, %dma_start3A_30] : memref<8192x2048xf32, #tpu.memory_space<hbm>> -> memref<8x2048xf32, #tpu.memory_space<hbm>>
    tpu.enqueue_dma source(%dma_start3A_31 : memref<8x2048xf32, #tpu.memory_space<hbm>>) target(%arg10 : memref<8x2048xf32, #tpu.memory_space<vmem>>) target_semaphore(%arg17 : memref<!tpu.dma_semaphore, #tpu.memory_space<semaphore_mem>>)
    %add3A_32 = arith.constant 40 : i32
    %add3A_33 = arith.addi %mul3A_2, %add3A_32 : i32
    %dma_start3A_34 = arith.constant 0 : i32
    %dma_start3A_35 = tpu.memref_slice %arg2[%add3A_33, %dma_start3A_34] : memref<8192x2048xf32, #tpu.memory_space<hbm>> -> memref<8x2048xf32, #tpu.memory_space<hbm>>
    %dma_start3A_36 = arith.constant 0 : i32
    %dma_start3A_37 = tpu.memref_slice %arg2[%add3A_33, %dma_start3A_36] : memref<8192x2048xf32, #tpu.memory_space<hbm>> -> memref<8x2048xf32, #tpu.memory_space<hbm>>
    tpu.enqueue_dma source(%dma_start3A_37 : memref<8x2048xf32, #tpu.memory_space<hbm>>) target(%arg11 : memref<8x2048xf32, #tpu.memory_space<vmem>>) target_semaphore(%arg18 : memref<!tpu.dma_semaphore, #tpu.memory_space<semaphore_mem>>)
    %add3A_38 = arith.constant 48 : i32
    %add3A_39 = arith.addi %mul3A_2, %add3A_38 : i32
    %dma_start3A_40 = arith.constant 0 : i32
    %dma_start3A_41 = tpu.memref_slice %arg2[%add3A_39, %dma_start3A_40] : memref<8192x2048xf32, #tpu.memory_space<hbm>> -> memref<8x2048xf32, #tpu.memory_space<hbm>>
    %dma_start3A_42 = arith.constant 0 : i32
    %dma_start3A_43 = tpu.memref_slice %arg2[%add3A_39, %dma_start3A_42] : memref<8192x2048xf32, #tpu.memory_space<hbm>> -> memref<8x2048xf32, #tpu.memory_space<hbm>>
    tpu.enqueue_dma source(%dma_start3A_43 : memref<8x2048xf32, #tpu.memory_space<hbm>>) target(%arg12 : memref<8x2048xf32, #tpu.memory_space<vmem>>) target_semaphore(%arg19 : memref<!tpu.dma_semaphore, #tpu.memory_space<semaphore_mem>>)
    "tpu.region"() ({
      %run_scoped3A = tpu.sem_alloc : memref<!tpu.dma_semaphore, #tpu.memory_space<semaphore_mem>>
      %dma_start3A_710 = arith.constant 0 : i32
      %dma_start3A_711 = tpu.memref_slice %arg5[%dma_start3A_710] : memref<272xi32, #tpu.memory_space<vmem>> -> memref<256xi32, #tpu.memory_space<vmem>>
      %dma_start3A_712 = tpu.memref_slice %arg3[%mul3A_2] : memref<8192xi32, #tpu.memory_space<hbm>> -> memref<256xi32, #tpu.memory_space<hbm>>
      %dma_start3A_713 = arith.constant 0 : i32
      %dma_start3A_714 = tpu.memref_slice %arg5[%dma_start3A_713] : memref<272xi32, #tpu.memory_space<vmem>> -> memref<256xi32, #tpu.memory_space<vmem>>
      %dma_start3A_715 = tpu.memref_slice %arg3[%mul3A_2] : memref<8192xi32, #tpu.memory_space<hbm>> -> memref<256xi32, #tpu.memory_space<hbm>>
      tpu.enqueue_dma source(%dma_start3A_715 : memref<256xi32, #tpu.memory_space<hbm>>) target(%dma_start3A_714 : memref<256xi32, #tpu.memory_space<vmem>>) target_semaphore(%run_scoped3A : memref<!tpu.dma_semaphore, #tpu.memory_space<semaphore_mem>>)
      %dma_wait3A_716 = arith.constant 0 : i32
      %dma_wait3A_717 = tpu.memref_slice %arg5[%dma_wait3A_716] : memref<272xi32, #tpu.memory_space<vmem>> -> memref<256xi32, #tpu.memory_space<vmem>>
      %dma_wait3A_718 = tpu.memref_slice %arg3[%mul3A_2] : memref<8192xi32, #tpu.memory_space<hbm>> -> memref<256xi32, #tpu.memory_space<hbm>>
      %dma_wait3A_719 = arith.constant 0 : i32
      %dma_wait3A_720 = tpu.memref_slice %arg5[%dma_wait3A_719] : memref<272xi32, #tpu.memory_space<vmem>> -> memref<256xi32, #tpu.memory_space<vmem>>
      %dma_wait3A_721 = tpu.memref_slice %arg3[%mul3A_2] : memref<8192xi32, #tpu.memory_space<hbm>> -> memref<256xi32, #tpu.memory_space<hbm>>
      tpu.wait_dma2 semaphore(%run_scoped3A : memref<!tpu.dma_semaphore, #tpu.memory_space<semaphore_mem>>) src(%dma_wait3A_721 : memref<256xi32, #tpu.memory_space<hbm>>) dst(%dma_wait3A_720 : memref<256xi32, #tpu.memory_space<vmem>>)
      tpu.yield
    }) : () -> ()
    %broadcast_in_dim3A = arith.constant 0 : i32
    %broadcast_in_dim3A_44 = vector.broadcast %broadcast_in_dim3A : i32 to vector<16xi32>
    %swap3A = arith.constant 256 : index
    %swap3A_45 = tpu.vector_load %arg5[%swap3A] {strides = array<i32>} : memref<272xi32, #tpu.memory_space<vmem>>, vector<16xi32>,
    tpu.vector_store %arg5[%swap3A], %broadcast_in_dim3A_44 {strides = array<i32>} : memref<272xi32, #tpu.memory_space<vmem>>, vector<16xi32>,
    %iota3A = tpu.iota {dimensions = array<i32: 0>} : vector<16xi32>
    %lt3A = arith.constant 8 : i32
    %lt3A_46 = vector.broadcast %lt3A : i32 to vector<16xi32>
    %lt3A_47 = arith.cmpi slt, %iota3A, %lt3A_46 : vector<16xi32>
    %broadcast_in_dim3A_48 = arith.constant 1.030000e+02 : f32
    %broadcast_in_dim3A_49 = vector.broadcast %broadcast_in_dim3A_48 : f32 to vector<16xf32>
    %dma_wait3A = arith.constant 0 : i32
    %dma_wait3A_50 = tpu.memref_slice %arg2[%add3A_4, %dma_wait3A] : memref<8192x2048xf32, #tpu.memory_space<hbm>> -> memref<8x2048xf32, #tpu.memory_space<hbm>>
    %dma_wait3A_51 = arith.constant 0 : i32
    %dma_wait3A_52 = tpu.memref_slice %arg2[%add3A_4, %dma_wait3A_51] : memref<8192x2048xf32, #tpu.memory_space<hbm>> -> memref<8x2048xf32, #tpu.memory_space<hbm>>
    tpu.wait_dma2 semaphore(%arg13 : memref<!tpu.dma_semaphore, #tpu.memory_space<semaphore_mem>>) src(%dma_wait3A_52 : memref<8x2048xf32, #tpu.memory_space<hbm>>) dst(%arg6 : memref<8x2048xf32, #tpu.memory_space<vmem>>)
    %get3A = arith.constant 0 : index
    %get3A_53 = tpu.vector_load %arg5[%get3A] {strides = array<i32>} : memref<272xi32, #tpu.memory_space<vmem>>, vector<16xi32>,
    tpu.vector_store_idx %arg6[%iota3A, %get3A_53], %broadcast_in_dim3A_49 masked %lt3A_47 : memref<8x2048xf32, #tpu.memory_space<vmem>>[vector<16xi32>, vector<16xi32>], vector<16xf32>, vector<16xi1>
    %add3A_54 = arith.constant 0 : i32
    %add3A_55 = arith.addi %mul3A_2, %add3A_54 : i32
    %dma_start3A_56 = arith.constant 0 : i32
    %dma_start3A_57 = tpu.memref_slice %arg4[%add3A_55, %dma_start3A_56] : memref<8192x2048xf32, #tpu.memory_space<hbm>> -> memref<8x2048xf32, #tpu.memory_space<hbm>>
    %dma_start3A_58 = arith.constant 0 : i32
    %dma_start3A_59 = tpu.memref_slice %arg4[%add3A_55, %dma_start3A_58] : memref<8192x2048xf32, #tpu.memory_space<hbm>> -> memref<8x2048xf32, #tpu.memory_space<hbm>>
    tpu.enqueue_dma source(%arg6 : memref<8x2048xf32, #tpu.memory_space<vmem>>) target(%dma_start3A_59 : memref<8x2048xf32, #tpu.memory_space<hbm>>) target_semaphore(%arg20 : memref<!tpu.dma_semaphore, #tpu.memory_space<semaphore_mem>>)
    %dma_wait3A_60 = arith.constant 0 : i32
    %dma_wait3A_61 = tpu.memref_slice %arg2[%add3A_9, %dma_wait3A_60] : memref<8192x2048xf32, #tpu.memory_space<hbm>> -> memref<8x2048xf32, #tpu.memory_space<hbm>>
    %dma_wait3A_62 = arith.constant 0 : i32
    %dma_wait3A_63 = tpu.memref_slice %arg2[%add3A_9, %dma_wait3A_62] : memref<8192x2048xf32, #tpu.memory_space<hbm>> -> memref<8x2048xf32, #tpu.memory_space<hbm>>
    tpu.wait_dma2 semaphore(%arg14 : memref<!tpu.dma_semaphore, #tpu.memory_space<semaphore_mem>>) src(%dma_wait3A_63 : memref<8x2048xf32, #tpu.memory_space<hbm>>) dst(%arg7 : memref<8x2048xf32, #tpu.memory_space<vmem>>)
    %get3A_64 = arith.constant 8 : index
    %get3A_65 = tpu.vector_load %arg5[%get3A_64] {strides = array<i32>} : memref<272xi32, #tpu.memory_space<vmem>>, vector<16xi32>,
    tpu.vector_store_idx %arg7[%iota3A, %get3A_65], %broadcast_in_dim3A_49 masked %lt3A_47 : memref<8x2048xf32, #tpu.memory_space<vmem>>[vector<16xi32>, vector<16xi32>], vector<16xf32>, vector<16xi1>
    %add3A_66 = arith.constant 8 : i32
    %add3A_67 = arith.addi %mul3A_2, %add3A_66 : i32
    %dma_start3A_68 = arith.constant 0 : i32
    %dma_start3A_69 = tpu.memref_slice %arg4[%add3A_67, %dma_start3A_68] : memref<8192x2048xf32, #tpu.memory_space<hbm>> -> memref<8x2048xf32, #tpu.memory_space<hbm>>
    %dma_start3A_70 = arith.constant 0 : i32
    %dma_start3A_71 = tpu.memref_slice %arg4[%add3A_67, %dma_start3A_70] : memref<8192x2048xf32, #tpu.memory_space<hbm>> -> memref<8x2048xf32, #tpu.memory_space<hbm>>
    tpu.enqueue_dma source(%arg7 : memref<8x2048xf32, #tpu.memory_space<vmem>>) target(%dma_start3A_71 : memref<8x2048xf32, #tpu.memory_space<hbm>>) target_semaphore(%arg21 : memref<!tpu.dma_semaphore, #tpu.memory_space<semaphore_mem>>)
    %dma_wait3A_72 = arith.constant 0 : i32
    %dma_wait3A_73 = tpu.memref_slice %arg2[%add3A_15, %dma_wait3A_72] : memref<8192x2048xf32, #tpu.memory_space<hbm>> -> memref<8x2048xf32, #tpu.memory_space<hbm>>
    %dma_wait3A_74 = arith.constant 0 : i32
    %dma_wait3A_75 = tpu.memref_slice %arg2[%add3A_15, %dma_wait3A_74] : memref<8192x2048xf32, #tpu.memory_space<hbm>> -> memref<8x2048xf32, #tpu.memory_space<hbm>>
    tpu.wait_dma2 semaphore(%arg15 : memref<!tpu.dma_semaphore, #tpu.memory_space<semaphore_mem>>) src(%dma_wait3A_75 : memref<8x2048xf32, #tpu.memory_space<hbm>>) dst(%arg8 : memref<8x2048xf32, #tpu.memory_space<vmem>>)
    %get3A_76 = arith.constant 16 : index
    %get3A_77 = tpu.vector_load %arg5[%get3A_76] {strides = array<i32>} : memref<272xi32, #tpu.memory_space<vmem>>, vector<16xi32>,
    tpu.vector_store_idx %arg8[%iota3A, %get3A_77], %broadcast_in_dim3A_49 masked %lt3A_47 : memref<8x2048xf32, #tpu.memory_space<vmem>>[vector<16xi32>, vector<16xi32>], vector<16xf32>, vector<16xi1>
    %add3A_78 = arith.constant 16 : i32
    %add3A_79 = arith.addi %mul3A_2, %add3A_78 : i32
    %dma_start3A_80 = arith.constant 0 : i32
    %dma_start3A_81 = tpu.memref_slice %arg4[%add3A_79, %dma_start3A_80] : memref<8192x2048xf32, #tpu.memory_space<hbm>> -> memref<8x2048xf32, #tpu.memory_space<hbm>>
    %dma_start3A_82 = arith.constant 0 : i32
    %dma_start3A_83 = tpu.memref_slice %arg4[%add3A_79, %dma_start3A_82] : memref<8192x2048xf32, #tpu.memory_space<hbm>> -> memref<8x2048xf32, #tpu.memory_space<hbm>>
    tpu.enqueue_dma source(%arg8 : memref<8x2048xf32, #tpu.memory_space<vmem>>) target(%dma_start3A_83 : memref<8x2048xf32, #tpu.memory_space<hbm>>) target_semaphore(%arg22 : memref<!tpu.dma_semaphore, #tpu.memory_space<semaphore_mem>>)
    %dma_wait3A_84 = arith.constant 0 : i32
    %dma_wait3A_85 = tpu.memref_slice %arg2[%add3A_21, %dma_wait3A_84] : memref<8192x2048xf32, #tpu.memory_space<hbm>> -> memref<8x2048xf32, #tpu.memory_space<hbm>>
    %dma_wait3A_86 = arith.constant 0 : i32
    %dma_wait3A_87 = tpu.memref_slice %arg2[%add3A_21, %dma_wait3A_86] : memref<8192x2048xf32, #tpu.memory_space<hbm>> -> memref<8x2048xf32, #tpu.memory_space<hbm>>
    tpu.wait_dma2 semaphore(%arg16 : memref<!tpu.dma_semaphore, #tpu.memory_space<semaphore_mem>>) src(%dma_wait3A_87 : memref<8x2048xf32, #tpu.memory_space<hbm>>) dst(%arg9 : memref<8x2048xf32, #tpu.memory_space<vmem>>)
    %get3A_88 = arith.constant 24 : index
    %get3A_89 = tpu.vector_load %arg5[%get3A_88] {strides = array<i32>} : memref<272xi32, #tpu.memory_space<vmem>>, vector<16xi32>,
    tpu.vector_store_idx %arg9[%iota3A, %get3A_89], %broadcast_in_dim3A_49 masked %lt3A_47 : memref<8x2048xf32, #tpu.memory_space<vmem>>[vector<16xi32>, vector<16xi32>], vector<16xf32>, vector<16xi1>
    %add3A_90 = arith.constant 24 : i32
    %add3A_91 = arith.addi %mul3A_2, %add3A_90 : i32
    %dma_start3A_92 = arith.constant 0 : i32
    %dma_start3A_93 = tpu.memref_slice %arg4[%add3A_91, %dma_start3A_92] : memref<8192x2048xf32, #tpu.memory_space<hbm>> -> memref<8x2048xf32, #tpu.memory_space<hbm>>
    %dma_start3A_94 = arith.constant 0 : i32
    %dma_start3A_95 = tpu.memref_slice %arg4[%add3A_91, %dma_start3A_94] : memref<8192x2048xf32, #tpu.memory_space<hbm>> -> memref<8x2048xf32, #tpu.memory_space<hbm>>
    tpu.enqueue_dma source(%arg9 : memref<8x2048xf32, #tpu.memory_space<vmem>>) target(%dma_start3A_95 : memref<8x2048xf32, #tpu.memory_space<hbm>>) target_semaphore(%arg23 : memref<!tpu.dma_semaphore, #tpu.memory_space<semaphore_mem>>)
    %dma_wait3A_96 = arith.constant 0 : i32
    %dma_wait3A_97 = tpu.memref_slice %arg2[%add3A_27, %dma_wait3A_96] : memref<8192x2048xf32, #tpu.memory_space<hbm>> -> memref<8x2048xf32, #tpu.memory_space<hbm>>
    %dma_wait3A_98 = arith.constant 0 : i32
    %dma_wait3A_99 = tpu.memref_slice %arg2[%add3A_27, %dma_wait3A_98] : memref<8192x2048xf32, #tpu.memory_space<hbm>> -> memref<8x2048xf32, #tpu.memory_space<hbm>>
    tpu.wait_dma2 semaphore(%arg17 : memref<!tpu.dma_semaphore, #tpu.memory_space<semaphore_mem>>) src(%dma_wait3A_99 : memref<8x2048xf32, #tpu.memory_space<hbm>>) dst(%arg10 : memref<8x2048xf32, #tpu.memory_space<vmem>>)
    %get3A_100 = arith.constant 32 : index
    %get3A_101 = tpu.vector_load %arg5[%get3A_100] {strides = array<i32>} : memref<272xi32, #tpu.memory_space<vmem>>, vector<16xi32>,
    tpu.vector_store_idx %arg10[%iota3A, %get3A_101], %broadcast_in_dim3A_49 masked %lt3A_47 : memref<8x2048xf32, #tpu.memory_space<vmem>>[vector<16xi32>, vector<16xi32>], vector<16xf32>, vector<16xi1>
    %add3A_102 = arith.constant 32 : i32
    %add3A_103 = arith.addi %mul3A_2, %add3A_102 : i32
    %dma_start3A_104 = arith.constant 0 : i32
    %dma_start3A_105 = tpu.memref_slice %arg4[%add3A_103, %dma_start3A_104] : memref<8192x2048xf32, #tpu.memory_space<hbm>> -> memref<8x2048xf32, #tpu.memory_space<hbm>>
    %dma_start3A_106 = arith.constant 0 : i32
    %dma_start3A_107 = tpu.memref_slice %arg4[%add3A_103, %dma_start3A_106] : memref<8192x2048xf32, #tpu.memory_space<hbm>> -> memref<8x2048xf32, #tpu.memory_space<hbm>>
    tpu.enqueue_dma source(%arg10 : memref<8x2048xf32, #tpu.memory_space<vmem>>) target(%dma_start3A_107 : memref<8x2048xf32, #tpu.memory_space<hbm>>) target_semaphore(%arg24 : memref<!tpu.dma_semaphore, #tpu.memory_space<semaphore_mem>>)
    %dma_wait3A_108 = arith.constant 0 : i32
    %dma_wait3A_109 = tpu.memref_slice %arg2[%add3A_33, %dma_wait3A_108] : memref<8192x2048xf32, #tpu.memory_space<hbm>> -> memref<8x2048xf32, #tpu.memory_space<hbm>>
    %dma_wait3A_110 = arith.constant 0 : i32
    %dma_wait3A_111 = tpu.memref_slice %arg2[%add3A_33, %dma_wait3A_110] : memref<8192x2048xf32, #tpu.memory_space<hbm>> -> memref<8x2048xf32, #tpu.memory_space<hbm>>
    tpu.wait_dma2 semaphore(%arg18 : memref<!tpu.dma_semaphore, #tpu.memory_space<semaphore_mem>>) src(%dma_wait3A_111 : memref<8x2048xf32, #tpu.memory_space<hbm>>) dst(%arg11 : memref<8x2048xf32, #tpu.memory_space<vmem>>)
    %get3A_112 = arith.constant 40 : index
    %get3A_113 = tpu.vector_load %arg5[%get3A_112] {strides = array<i32>} : memref<272xi32, #tpu.memory_space<vmem>>, vector<16xi32>,
    tpu.vector_store_idx %arg11[%iota3A, %get3A_113], %broadcast_in_dim3A_49 masked %lt3A_47 : memref<8x2048xf32, #tpu.memory_space<vmem>>[vector<16xi32>, vector<16xi32>], vector<16xf32>, vector<16xi1>
    %add3A_114 = arith.constant 40 : i32
    %add3A_115 = arith.addi %mul3A_2, %add3A_114 : i32
    %dma_start3A_116 = arith.constant 0 : i32
    %dma_start3A_117 = tpu.memref_slice %arg4[%add3A_115, %dma_start3A_116] : memref<8192x2048xf32, #tpu.memory_space<hbm>> -> memref<8x2048xf32, #tpu.memory_space<hbm>>
    %dma_start3A_118 = arith.constant 0 : i32
    %dma_start3A_119 = tpu.memref_slice %arg4[%add3A_115, %dma_start3A_118] : memref<8192x2048xf32, #tpu.memory_space<hbm>> -> memref<8x2048xf32, #tpu.memory_space<hbm>>
    tpu.enqueue_dma source(%arg11 : memref<8x2048xf32, #tpu.memory_space<vmem>>) target(%dma_start3A_119 : memref<8x2048xf32, #tpu.memory_space<hbm>>) target_semaphore(%arg25 : memref<!tpu.dma_semaphore, #tpu.memory_space<semaphore_mem>>)
    %dma_wait3A_120 = arith.constant 0 : i32
    %dma_wait3A_121 = tpu.memref_slice %arg4[%add3A_55, %dma_wait3A_120] : memref<8192x2048xf32, #tpu.memory_space<hbm>> -> memref<8x2048xf32, #tpu.memory_space<hbm>>
    %dma_wait3A_122 = arith.constant 0 : i32
    %dma_wait3A_123 = tpu.memref_slice %arg4[%add3A_55, %dma_wait3A_122] : memref<8192x2048xf32, #tpu.memory_space<hbm>> -> memref<8x2048xf32, #tpu.memory_space<hbm>>
    tpu.wait_dma2 semaphore(%arg20 : memref<!tpu.dma_semaphore, #tpu.memory_space<semaphore_mem>>) src(%arg6 : memref<8x2048xf32, #tpu.memory_space<vmem>>) dst(%dma_wait3A_123 : memref<8x2048xf32, #tpu.memory_space<hbm>>)
    %add3A_124 = arith.constant 56 : i32
    %add3A_125 = arith.addi %mul3A_2, %add3A_124 : i32
    %dma_start3A_126 = arith.constant 0 : i32
    %dma_start3A_127 = tpu.memref_slice %arg2[%add3A_125, %dma_start3A_126] : memref<8192x2048xf32, #tpu.memory_space<hbm>> -> memref<8x2048xf32, #tpu.memory_space<hbm>>
    %dma_start3A_128 = arith.constant 0 : i32
    %dma_start3A_129 = tpu.memref_slice %arg2[%add3A_125, %dma_start3A_128] : memref<8192x2048xf32, #tpu.memory_space<hbm>> -> memref<8x2048xf32, #tpu.memory_space<hbm>>
    tpu.enqueue_dma source(%dma_start3A_129 : memref<8x2048xf32, #tpu.memory_space<hbm>>) target(%arg6 : memref<8x2048xf32, #tpu.memory_space<vmem>>) target_semaphore(%arg13 : memref<!tpu.dma_semaphore, #tpu.memory_space<semaphore_mem>>)
    %dma_wait3A_130 = arith.constant 0 : i32
    %dma_wait3A_131 = tpu.memref_slice %arg2[%add3A_39, %dma_wait3A_130] : memref<8192x2048xf32, #tpu.memory_space<hbm>> -> memref<8x2048xf32, #tpu.memory_space<hbm>>
    %dma_wait3A_132 = arith.constant 0 : i32
    %dma_wait3A_133 = tpu.memref_slice %arg2[%add3A_39, %dma_wait3A_132] : memref<8192x2048xf32, #tpu.memory_space<hbm>> -> memref<8x2048xf32, #tpu.memory_space<hbm>>
    tpu.wait_dma2 semaphore(%arg19 : memref<!tpu.dma_semaphore, #tpu.memory_space<semaphore_mem>>) src(%dma_wait3A_133 : memref<8x2048xf32, #tpu.memory_space<hbm>>) dst(%arg12 : memref<8x2048xf32, #tpu.memory_space<vmem>>)
    %get3A_134 = arith.constant 48 : index
    %get3A_135 = tpu.vector_load %arg5[%get3A_134] {strides = array<i32>} : memref<272xi32, #tpu.memory_space<vmem>>, vector<16xi32>,
    tpu.vector_store_idx %arg12[%iota3A, %get3A_135], %broadcast_in_dim3A_49 masked %lt3A_47 : memref<8x2048xf32, #tpu.memory_space<vmem>>[vector<16xi32>, vector<16xi32>], vector<16xf32>, vector<16xi1>
    %add3A_136 = arith.constant 48 : i32
    %add3A_137 = arith.addi %mul3A_2, %add3A_136 : i32
    %dma_start3A_138 = arith.constant 0 : i32
    %dma_start3A_139 = tpu.memref_slice %arg4[%add3A_137, %dma_start3A_138] : memref<8192x2048xf32, #tpu.memory_space<hbm>> -> memref<8x2048xf32, #tpu.memory_space<hbm>>
    %dma_start3A_140 = arith.constant 0 : i32
    %dma_start3A_141 = tpu.memref_slice %arg4[%add3A_137, %dma_start3A_140] : memref<8192x2048xf32, #tpu.memory_space<hbm>> -> memref<8x2048xf32, #tpu.memory_space<hbm>>
    tpu.enqueue_dma source(%arg12 : memref<8x2048xf32, #tpu.memory_space<vmem>>) target(%dma_start3A_141 : memref<8x2048xf32, #tpu.memory_space<hbm>>) target_semaphore(%arg26 : memref<!tpu.dma_semaphore, #tpu.memory_space<semaphore_mem>>)
    %dma_wait3A_142 = arith.constant 0 : i32
    %dma_wait3A_143 = tpu.memref_slice %arg4[%add3A_67, %dma_wait3A_142] : memref<8192x2048xf32, #tpu.memory_space<hbm>> -> memref<8x2048xf32, #tpu.memory_space<hbm>>
    %dma_wait3A_144 = arith.constant 0 : i32
    %dma_wait3A_145 = tpu.memref_slice %arg4[%add3A_67, %dma_wait3A_144] : memref<8192x2048xf32, #tpu.memory_space<hbm>> -> memref<8x2048xf32, #tpu.memory_space<hbm>>
    tpu.wait_dma2 semaphore(%arg21 : memref<!tpu.dma_semaphore, #tpu.memory_space<semaphore_mem>>) src(%arg7 : memref<8x2048xf32, #tpu.memory_space<vmem>>) dst(%dma_wait3A_145 : memref<8x2048xf32, #tpu.memory_space<hbm>>)
    %add3A_146 = arith.constant 64 : i32
    %add3A_147 = arith.addi %mul3A_2, %add3A_146 : i32
    %dma_start3A_148 = arith.constant 0 : i32
    %dma_start3A_149 = tpu.memref_slice %arg2[%add3A_147, %dma_start3A_148] : memref<8192x2048xf32, #tpu.memory_space<hbm>> -> memref<8x2048xf32, #tpu.memory_space<hbm>>
    %dma_start3A_150 = arith.constant 0 : i32
    %dma_start3A_151 = tpu.memref_slice %arg2[%add3A_147, %dma_start3A_150] : memref<8192x2048xf32, #tpu.memory_space<hbm>> -> memref<8x2048xf32, #tpu.memory_space<hbm>>
    tpu.enqueue_dma source(%dma_start3A_151 : memref<8x2048xf32, #tpu.memory_space<hbm>>) target(%arg7 : memref<8x2048xf32, #tpu.memory_space<vmem>>) target_semaphore(%arg14 : memref<!tpu.dma_semaphore, #tpu.memory_space<semaphore_mem>>)
    %dma_wait3A_152 = arith.constant 0 : i32
    %dma_wait3A_153 = tpu.memref_slice %arg2[%add3A_125, %dma_wait3A_152] : memref<8192x2048xf32, #tpu.memory_space<hbm>> -> memref<8x2048xf32, #tpu.memory_space<hbm>>
    %dma_wait3A_154 = arith.constant 0 : i32
    %dma_wait3A_155 = tpu.memref_slice %arg2[%add3A_125, %dma_wait3A_154] : memref<8192x2048xf32, #tpu.memory_space<hbm>> -> memref<8x2048xf32, #tpu.memory_space<hbm>>
    tpu.wait_dma2 semaphore(%arg13 : memref<!tpu.dma_semaphore, #tpu.memory_space<semaphore_mem>>) src(%dma_wait3A_155 : memref<8x2048xf32, #tpu.memory_space<hbm>>) dst(%arg6 : memref<8x2048xf32, #tpu.memory_space<vmem>>)
    %get3A_156 = arith.constant 56 : index
    %get3A_157 = tpu.vector_load %arg5[%get3A_156] {strides = array<i32>} : memref<272xi32, #tpu.memory_space<vmem>>, vector<16xi32>,
    tpu.vector_store_idx %arg6[%iota3A, %get3A_157], %broadcast_in_dim3A_49 masked %lt3A_47 : memref<8x2048xf32, #tpu.memory_space<vmem>>[vector<16xi32>, vector<16xi32>], vector<16xf32>, vector<16xi1>
    %add3A_158 = arith.constant 56 : i32
    %add3A_159 = arith.addi %mul3A_2, %add3A_158 : i32
    %dma_start3A_160 = arith.constant 0 : i32
    %dma_start3A_161 = tpu.memref_slice %arg4[%add3A_159, %dma_start3A_160] : memref<8192x2048xf32, #tpu.memory_space<hbm>> -> memref<8x2048xf32, #tpu.memory_space<hbm>>
    %dma_start3A_162 = arith.constant 0 : i32
    %dma_start3A_163 = tpu.memref_slice %arg4[%add3A_159, %dma_start3A_162] : memref<8192x2048xf32, #tpu.memory_space<hbm>> -> memref<8x2048xf32, #tpu.memory_space<hbm>>
    tpu.enqueue_dma source(%arg6 : memref<8x2048xf32, #tpu.memory_space<vmem>>) target(%dma_start3A_163 : memref<8x2048xf32, #tpu.memory_space<hbm>>) target_semaphore(%arg20 : memref<!tpu.dma_semaphore, #tpu.memory_space<semaphore_mem>>)
    %dma_wait3A_164 = arith.constant 0 : i32
    %dma_wait3A_165 = tpu.memref_slice %arg4[%add3A_79, %dma_wait3A_164] : memref<8192x2048xf32, #tpu.memory_space<hbm>> -> memref<8x2048xf32, #tpu.memory_space<hbm>>
    %dma_wait3A_166 = arith.constant 0 : i32
    %dma_wait3A_167 = tpu.memref_slice %arg4[%add3A_79, %dma_wait3A_166] : memref<8192x2048xf32, #tpu.memory_space<hbm>> -> memref<8x2048xf32, #tpu.memory_space<hbm>>
    tpu.wait_dma2 semaphore(%arg22 : memref<!tpu.dma_semaphore, #tpu.memory_space<semaphore_mem>>) src(%arg8 : memref<8x2048xf32, #tpu.memory_space<vmem>>) dst(%dma_wait3A_167 : memref<8x2048xf32, #tpu.memory_space<hbm>>)
    %add3A_168 = arith.constant 72 : i32
    %add3A_169 = arith.addi %mul3A_2, %add3A_168 : i32
    %dma_start3A_170 = arith.constant 0 : i32
    %dma_start3A_171 = tpu.memref_slice %arg2[%add3A_169, %dma_start3A_170] : memref<8192x2048xf32, #tpu.memory_space<hbm>> -> memref<8x2048xf32, #tpu.memory_space<hbm>>
    %dma_start3A_172 = arith.constant 0 : i32
    %dma_start3A_173 = tpu.memref_slice %arg2[%add3A_169, %dma_start3A_172] : memref<8192x2048xf32, #tpu.memory_space<hbm>> -> memref<8x2048xf32, #tpu.memory_space<hbm>>
    tpu.enqueue_dma source(%dma_start3A_173 : memref<8x2048xf32, #tpu.memory_space<hbm>>) target(%arg8 : memref<8x2048xf32, #tpu.memory_space<vmem>>) target_semaphore(%arg15 : memref<!tpu.dma_semaphore, #tpu.memory_space<semaphore_mem>>)
    %dma_wait3A_174 = arith.constant 0 : i32
    %dma_wait3A_175 = tpu.memref_slice %arg2[%add3A_147, %dma_wait3A_174] : memref<8192x2048xf32, #tpu.memory_space<hbm>> -> memref<8x2048xf32, #tpu.memory_space<hbm>>
    %dma_wait3A_176 = arith.constant 0 : i32
    %dma_wait3A_177 = tpu.memref_slice %arg2[%add3A_147, %dma_wait3A_176] : memref<8192x2048xf32, #tpu.memory_space<hbm>> -> memref<8x2048xf32, #tpu.memory_space<hbm>>
    tpu.wait_dma2 semaphore(%arg14 : memref<!tpu.dma_semaphore, #tpu.memory_space<semaphore_mem>>) src(%dma_wait3A_177 : memref<8x2048xf32, #tpu.memory_space<hbm>>) dst(%arg7 : memref<8x2048xf32, #tpu.memory_space<vmem>>)
    %get3A_178 = arith.constant 64 : index
    %get3A_179 = tpu.vector_load %arg5[%get3A_178] {strides = array<i32>} : memref<272xi32, #tpu.memory_space<vmem>>, vector<16xi32>,
    tpu.vector_store_idx %arg7[%iota3A, %get3A_179], %broadcast_in_dim3A_49 masked %lt3A_47 : memref<8x2048xf32, #tpu.memory_space<vmem>>[vector<16xi32>, vector<16xi32>], vector<16xf32>, vector<16xi1>
    %add3A_180 = arith.constant 64 : i32
    %add3A_181 = arith.addi %mul3A_2, %add3A_180 : i32
    %dma_start3A_182 = arith.constant 0 : i32
    %dma_start3A_183 = tpu.memref_slice %arg4[%add3A_181, %dma_start3A_182] : memref<8192x2048xf32, #tpu.memory_space<hbm>> -> memref<8x2048xf32, #tpu.memory_space<hbm>>
    %dma_start3A_184 = arith.constant 0 : i32
    %dma_start3A_185 = tpu.memref_slice %arg4[%add3A_181, %dma_start3A_184] : memref<8192x2048xf32, #tpu.memory_space<hbm>> -> memref<8x2048xf32, #tpu.memory_space<hbm>>
    tpu.enqueue_dma source(%arg7 : memref<8x2048xf32, #tpu.memory_space<vmem>>) target(%dma_start3A_185 : memref<8x2048xf32, #tpu.memory_space<hbm>>) target_semaphore(%arg21 : memref<!tpu.dma_semaphore, #tpu.memory_space<semaphore_mem>>)
    %dma_wait3A_186 = arith.constant 0 : i32
    %dma_wait3A_187 = tpu.memref_slice %arg4[%add3A_91, %dma_wait3A_186] : memref<8192x2048xf32, #tpu.memory_space<hbm>> -> memref<8x2048xf32, #tpu.memory_space<hbm>>
    %dma_wait3A_188 = arith.constant 0 : i32
    %dma_wait3A_189 = tpu.memref_slice %arg4[%add3A_91, %dma_wait3A_188] : memref<8192x2048xf32, #tpu.memory_space<hbm>> -> memref<8x2048xf32, #tpu.memory_space<hbm>>
    tpu.wait_dma2 semaphore(%arg23 : memref<!tpu.dma_semaphore, #tpu.memory_space<semaphore_mem>>) src(%arg9 : memref<8x2048xf32, #tpu.memory_space<vmem>>) dst(%dma_wait3A_189 : memref<8x2048xf32, #tpu.memory_space<hbm>>)
    %add3A_190 = arith.constant 80 : i32
    %add3A_191 = arith.addi %mul3A_2, %add3A_190 : i32
    %dma_start3A_192 = arith.constant 0 : i32
    %dma_start3A_193 = tpu.memref_slice %arg2[%add3A_191, %dma_start3A_192] : memref<8192x2048xf32, #tpu.memory_space<hbm>> -> memref<8x2048xf32, #tpu.memory_space<hbm>>
    %dma_start3A_194 = arith.constant 0 : i32
    %dma_start3A_195 = tpu.memref_slice %arg2[%add3A_191, %dma_start3A_194] : memref<8192x2048xf32, #tpu.memory_space<hbm>> -> memref<8x2048xf32, #tpu.memory_space<hbm>>
    tpu.enqueue_dma source(%dma_start3A_195 : memref<8x2048xf32, #tpu.memory_space<hbm>>) target(%arg9 : memref<8x2048xf32, #tpu.memory_space<vmem>>) target_semaphore(%arg16 : memref<!tpu.dma_semaphore, #tpu.memory_space<semaphore_mem>>)
    %dma_wait3A_196 = arith.constant 0 : i32
    %dma_wait3A_197 = tpu.memref_slice %arg2[%add3A_169, %dma_wait3A_196] : memref<8192x2048xf32, #tpu.memory_space<hbm>> -> memref<8x2048xf32, #tpu.memory_space<hbm>>
    %dma_wait3A_198 = arith.constant 0 : i32
    %dma_wait3A_199 = tpu.memref_slice %arg2[%add3A_169, %dma_wait3A_198] : memref<8192x2048xf32, #tpu.memory_space<hbm>> -> memref<8x2048xf32, #tpu.memory_space<hbm>>
    tpu.wait_dma2 semaphore(%arg15 : memref<!tpu.dma_semaphore, #tpu.memory_space<semaphore_mem>>) src(%dma_wait3A_199 : memref<8x2048xf32, #tpu.memory_space<hbm>>) dst(%arg8 : memref<8x2048xf32, #tpu.memory_space<vmem>>)
    %get3A_200 = arith.constant 72 : index
    %get3A_201 = tpu.vector_load %arg5[%get3A_200] {strides = array<i32>} : memref<272xi32, #tpu.memory_space<vmem>>, vector<16xi32>,
    tpu.vector_store_idx %arg8[%iota3A, %get3A_201], %broadcast_in_dim3A_49 masked %lt3A_47 : memref<8x2048xf32, #tpu.memory_space<vmem>>[vector<16xi32>, vector<16xi32>], vector<16xf32>, vector<16xi1>
    %add3A_202 = arith.constant 72 : i32
    %add3A_203 = arith.addi %mul3A_2, %add3A_202 : i32
    %dma_start3A_204 = arith.constant 0 : i32
    %dma_start3A_205 = tpu.memref_slice %arg4[%add3A_203, %dma_start3A_204] : memref<8192x2048xf32, #tpu.memory_space<hbm>> -> memref<8x2048xf32, #tpu.memory_space<hbm>>
    %dma_start3A_206 = arith.constant 0 : i32
    %dma_start3A_207 = tpu.memref_slice %arg4[%add3A_203, %dma_start3A_206] : memref<8192x2048xf32, #tpu.memory_space<hbm>> -> memref<8x2048xf32, #tpu.memory_space<hbm>>
    tpu.enqueue_dma source(%arg8 : memref<8x2048xf32, #tpu.memory_space<vmem>>) target(%dma_start3A_207 : memref<8x2048xf32, #tpu.memory_space<hbm>>) target_semaphore(%arg22 : memref<!tpu.dma_semaphore, #tpu.memory_space<semaphore_mem>>)
    %dma_wait3A_208 = arith.constant 0 : i32
    %dma_wait3A_209 = tpu.memref_slice %arg4[%add3A_103, %dma_wait3A_208] : memref<8192x2048xf32, #tpu.memory_space<hbm>> -> memref<8x2048xf32, #tpu.memory_space<hbm>>
    %dma_wait3A_210 = arith.constant 0 : i32
    %dma_wait3A_211 = tpu.memref_slice %arg4[%add3A_103, %dma_wait3A_210] : memref<8192x2048xf32, #tpu.memory_space<hbm>> -> memref<8x2048xf32, #tpu.memory_space<hbm>>
    tpu.wait_dma2 semaphore(%arg24 : memref<!tpu.dma_semaphore, #tpu.memory_space<semaphore_mem>>) src(%arg10 : memref<8x2048xf32, #tpu.memory_space<vmem>>) dst(%dma_wait3A_211 : memref<8x2048xf32, #tpu.memory_space<hbm>>)
    %add3A_212 = arith.constant 88 : i32
    %add3A_213 = arith.addi %mul3A_2, %add3A_212 : i32
    %dma_start3A_214 = arith.constant 0 : i32
    %dma_start3A_215 = tpu.memref_slice %arg2[%add3A_213, %dma_start3A_214] : memref<8192x2048xf32, #tpu.memory_space<hbm>> -> memref<8x2048xf32, #tpu.memory_space<hbm>>
    %dma_start3A_216 = arith.constant 0 : i32
    %dma_start3A_217 = tpu.memref_slice %arg2[%add3A_213, %dma_start3A_216] : memref<8192x2048xf32, #tpu.memory_space<hbm>> -> memref<8x2048xf32, #tpu.memory_space<hbm>>
    tpu.enqueue_dma source(%dma_start3A_217 : memref<8x2048xf32, #tpu.memory_space<hbm>>) target(%arg10 : memref<8x2048xf32, #tpu.memory_space<vmem>>) target_semaphore(%arg17 : memref<!tpu.dma_semaphore, #tpu.memory_space<semaphore_mem>>)
    %dma_wait3A_218 = arith.constant 0 : i32
    %dma_wait3A_219 = tpu.memref_slice %arg2[%add3A_191, %dma_wait3A_218] : memref<8192x2048xf32, #tpu.memory_space<hbm>> -> memref<8x2048xf32, #tpu.memory_space<hbm>>
    %dma_wait3A_220 = arith.constant 0 : i32
    %dma_wait3A_221 = tpu.memref_slice %arg2[%add3A_191, %dma_wait3A_220] : memref<8192x2048xf32, #tpu.memory_space<hbm>> -> memref<8x2048xf32, #tpu.memory_space<hbm>>
    tpu.wait_dma2 semaphore(%arg16 : memref<!tpu.dma_semaphore, #tpu.memory_space<semaphore_mem>>) src(%dma_wait3A_221 : memref<8x2048xf32, #tpu.memory_space<hbm>>) dst(%arg9 : memref<8x2048xf32, #tpu.memory_space<vmem>>)
    %get3A_222 = arith.constant 80 : index
    %get3A_223 = tpu.vector_load %arg5[%get3A_222] {strides = array<i32>} : memref<272xi32, #tpu.memory_space<vmem>>, vector<16xi32>,
    tpu.vector_store_idx %arg9[%iota3A, %get3A_223], %broadcast_in_dim3A_49 masked %lt3A_47 : memref<8x2048xf32, #tpu.memory_space<vmem>>[vector<16xi32>, vector<16xi32>], vector<16xf32>, vector<16xi1>
    %add3A_224 = arith.constant 80 : i32
    %add3A_225 = arith.addi %mul3A_2, %add3A_224 : i32
    %dma_start3A_226 = arith.constant 0 : i32
    %dma_start3A_227 = tpu.memref_slice %arg4[%add3A_225, %dma_start3A_226] : memref<8192x2048xf32, #tpu.memory_space<hbm>> -> memref<8x2048xf32, #tpu.memory_space<hbm>>
    %dma_start3A_228 = arith.constant 0 : i32
    %dma_start3A_229 = tpu.memref_slice %arg4[%add3A_225, %dma_start3A_228] : memref<8192x2048xf32, #tpu.memory_space<hbm>> -> memref<8x2048xf32, #tpu.memory_space<hbm>>
    tpu.enqueue_dma source(%arg9 : memref<8x2048xf32, #tpu.memory_space<vmem>>) target(%dma_start3A_229 : memref<8x2048xf32, #tpu.memory_space<hbm>>) target_semaphore(%arg23 : memref<!tpu.dma_semaphore, #tpu.memory_space<semaphore_mem>>)
    %dma_wait3A_230 = arith.constant 0 : i32
    %dma_wait3A_231 = tpu.memref_slice %arg4[%add3A_115, %dma_wait3A_230] : memref<8192x2048xf32, #tpu.memory_space<hbm>> -> memref<8x2048xf32, #tpu.memory_space<hbm>>
    %dma_wait3A_232 = arith.constant 0 : i32
    %dma_wait3A_233 = tpu.memref_slice %arg4[%add3A_115, %dma_wait3A_232] : memref<8192x2048xf32, #tpu.memory_space<hbm>> -> memref<8x2048xf32, #tpu.memory_space<hbm>>
    tpu.wait_dma2 semaphore(%arg25 : memref<!tpu.dma_semaphore, #tpu.memory_space<semaphore_mem>>) src(%arg11 : memref<8x2048xf32, #tpu.memory_space<vmem>>) dst(%dma_wait3A_233 : memref<8x2048xf32, #tpu.memory_space<hbm>>)
    %add3A_234 = arith.constant 96 : i32
    %add3A_235 = arith.addi %mul3A_2, %add3A_234 : i32
    %dma_start3A_236 = arith.constant 0 : i32
    %dma_start3A_237 = tpu.memref_slice %arg2[%add3A_235, %dma_start3A_236] : memref<8192x2048xf32, #tpu.memory_space<hbm>> -> memref<8x2048xf32, #tpu.memory_space<hbm>>
    %dma_start3A_238 = arith.constant 0 : i32
    %dma_start3A_239 = tpu.memref_slice %arg2[%add3A_235, %dma_start3A_238] : memref<8192x2048xf32, #tpu.memory_space<hbm>> -> memref<8x2048xf32, #tpu.memory_space<hbm>>
    tpu.enqueue_dma source(%dma_start3A_239 : memref<8x2048xf32, #tpu.memory_space<hbm>>) target(%arg11 : memref<8x2048xf32, #tpu.memory_space<vmem>>) target_semaphore(%arg18 : memref<!tpu.dma_semaphore, #tpu.memory_space<semaphore_mem>>)
    %dma_wait3A_240 = arith.constant 0 : i32
    %dma_wait3A_241 = tpu.memref_slice %arg2[%add3A_213, %dma_wait3A_240] : memref<8192x2048xf32, #tpu.memory_space<hbm>> -> memref<8x2048xf32, #tpu.memory_space<hbm>>
    %dma_wait3A_242 = arith.constant 0 : i32
    %dma_wait3A_243 = tpu.memref_slice %arg2[%add3A_213, %dma_wait3A_242] : memref<8192x2048xf32, #tpu.memory_space<hbm>> -> memref<8x2048xf32, #tpu.memory_space<hbm>>
    tpu.wait_dma2 semaphore(%arg17 : memref<!tpu.dma_semaphore, #tpu.memory_space<semaphore_mem>>) src(%dma_wait3A_243 : memref<8x2048xf32, #tpu.memory_space<hbm>>) dst(%arg10 : memref<8x2048xf32, #tpu.memory_space<vmem>>)
    %get3A_244 = arith.constant 88 : index
    %get3A_245 = tpu.vector_load %arg5[%get3A_244] {strides = array<i32>} : memref<272xi32, #tpu.memory_space<vmem>>, vector<16xi32>,
    tpu.vector_store_idx %arg10[%iota3A, %get3A_245], %broadcast_in_dim3A_49 masked %lt3A_47 : memref<8x2048xf32, #tpu.memory_space<vmem>>[vector<16xi32>, vector<16xi32>], vector<16xf32>, vector<16xi1>
    %add3A_246 = arith.constant 88 : i32
    %add3A_247 = arith.addi %mul3A_2, %add3A_246 : i32
    %dma_start3A_248 = arith.constant 0 : i32
    %dma_start3A_249 = tpu.memref_slice %arg4[%add3A_247, %dma_start3A_248] : memref<8192x2048xf32, #tpu.memory_space<hbm>> -> memref<8x2048xf32, #tpu.memory_space<hbm>>
    %dma_start3A_250 = arith.constant 0 : i32
    %dma_start3A_251 = tpu.memref_slice %arg4[%add3A_247, %dma_start3A_250] : memref<8192x2048xf32, #tpu.memory_space<hbm>> -> memref<8x2048xf32, #tpu.memory_space<hbm>>
    tpu.enqueue_dma source(%arg10 : memref<8x2048xf32, #tpu.memory_space<vmem>>) target(%dma_start3A_251 : memref<8x2048xf32, #tpu.memory_space<hbm>>) target_semaphore(%arg24 : memref<!tpu.dma_semaphore, #tpu.memory_space<semaphore_mem>>)
    %dma_wait3A_252 = arith.constant 0 : i32
    %dma_wait3A_253 = tpu.memref_slice %arg4[%add3A_137, %dma_wait3A_252] : memref<8192x2048xf32, #tpu.memory_space<hbm>> -> memref<8x2048xf32, #tpu.memory_space<hbm>>
    %dma_wait3A_254 = arith.constant 0 : i32
    %dma_wait3A_255 = tpu.memref_slice %arg4[%add3A_137, %dma_wait3A_254] : memref<8192x2048xf32, #tpu.memory_space<hbm>> -> memref<8x2048xf32, #tpu.memory_space<hbm>>
    tpu.wait_dma2 semaphore(%arg26 : memref<!tpu.dma_semaphore, #tpu.memory_space<semaphore_mem>>) src(%arg12 : memref<8x2048xf32, #tpu.memory_space<vmem>>) dst(%dma_wait3A_255 : memref<8x2048xf32, #tpu.memory_space<hbm>>)
    %add3A_256 = arith.constant 104 : i32
    %add3A_257 = arith.addi %mul3A_2, %add3A_256 : i32
    %dma_start3A_258 = arith.constant 0 : i32
    %dma_start3A_259 = tpu.memref_slice %arg2[%add3A_257, %dma_start3A_258] : memref<8192x2048xf32, #tpu.memory_space<hbm>> -> memref<8x2048xf32, #tpu.memory_space<hbm>>
    %dma_start3A_260 = arith.constant 0 : i32
    %dma_start3A_261 = tpu.memref_slice %arg2[%add3A_257, %dma_start3A_260] : memref<8192x2048xf32, #tpu.memory_space<hbm>> -> memref<8x2048xf32, #tpu.memory_space<hbm>>
    tpu.enqueue_dma source(%dma_start3A_261 : memref<8x2048xf32, #tpu.memory_space<hbm>>) target(%arg12 : memref<8x2048xf32, #tpu.memory_space<vmem>>) target_semaphore(%arg19 : memref<!tpu.dma_semaphore, #tpu.memory_space<semaphore_mem>>)
    %dma_wait3A_262 = arith.constant 0 : i32
    %dma_wait3A_263 = tpu.memref_slice %arg2[%add3A_235, %dma_wait3A_262] : memref<8192x2048xf32, #tpu.memory_space<hbm>> -> memref<8x2048xf32, #tpu.memory_space<hbm>>
    %dma_wait3A_264 = arith.constant 0 : i32
    %dma_wait3A_265 = tpu.memref_slice %arg2[%add3A_235, %dma_wait3A_264] : memref<8192x2048xf32, #tpu.memory_space<hbm>> -> memref<8x2048xf32, #tpu.memory_space<hbm>>
    tpu.wait_dma2 semaphore(%arg18 : memref<!tpu.dma_semaphore, #tpu.memory_space<semaphore_mem>>) src(%dma_wait3A_265 : memref<8x2048xf32, #tpu.memory_space<hbm>>) dst(%arg11 : memref<8x2048xf32, #tpu.memory_space<vmem>>)
    %get3A_266 = arith.constant 96 : index
    %get3A_267 = tpu.vector_load %arg5[%get3A_266] {strides = array<i32>} : memref<272xi32, #tpu.memory_space<vmem>>, vector<16xi32>,
    tpu.vector_store_idx %arg11[%iota3A, %get3A_267], %broadcast_in_dim3A_49 masked %lt3A_47 : memref<8x2048xf32, #tpu.memory_space<vmem>>[vector<16xi32>, vector<16xi32>], vector<16xf32>, vector<16xi1>
    %add3A_268 = arith.constant 96 : i32
    %add3A_269 = arith.addi %mul3A_2, %add3A_268 : i32
    %dma_start3A_270 = arith.constant 0 : i32
    %dma_start3A_271 = tpu.memref_slice %arg4[%add3A_269, %dma_start3A_270] : memref<8192x2048xf32, #tpu.memory_space<hbm>> -> memref<8x2048xf32, #tpu.memory_space<hbm>>
    %dma_start3A_272 = arith.constant 0 : i32
    %dma_start3A_273 = tpu.memref_slice %arg4[%add3A_269, %dma_start3A_272] : memref<8192x2048xf32, #tpu.memory_space<hbm>> -> memref<8x2048xf32, #tpu.memory_space<hbm>>
    tpu.enqueue_dma source(%arg11 : memref<8x2048xf32, #tpu.memory_space<vmem>>) target(%dma_start3A_273 : memref<8x2048xf32, #tpu.memory_space<hbm>>) target_semaphore(%arg25 : memref<!tpu.dma_semaphore, #tpu.memory_space<semaphore_mem>>)
    %dma_wait3A_274 = arith.constant 0 : i32
    %dma_wait3A_275 = tpu.memref_slice %arg4[%add3A_159, %dma_wait3A_274] : memref<8192x2048xf32, #tpu.memory_space<hbm>> -> memref<8x2048xf32, #tpu.memory_space<hbm>>
    %dma_wait3A_276 = arith.constant 0 : i32
    %dma_wait3A_277 = tpu.memref_slice %arg4[%add3A_159, %dma_wait3A_276] : memref<8192x2048xf32, #tpu.memory_space<hbm>> -> memref<8x2048xf32, #tpu.memory_space<hbm>>
    tpu.wait_dma2 semaphore(%arg20 : memref<!tpu.dma_semaphore, #tpu.memory_space<semaphore_mem>>) src(%arg6 : memref<8x2048xf32, #tpu.memory_space<vmem>>) dst(%dma_wait3A_277 : memref<8x2048xf32, #tpu.memory_space<hbm>>)
    %add3A_278 = arith.constant 112 : i32
    %add3A_279 = arith.addi %mul3A_2, %add3A_278 : i32
    %dma_start3A_280 = arith.constant 0 : i32
    %dma_start3A_281 = tpu.memref_slice %arg2[%add3A_279, %dma_start3A_280] : memref<8192x2048xf32, #tpu.memory_space<hbm>> -> memref<8x2048xf32, #tpu.memory_space<hbm>>
    %dma_start3A_282 = arith.constant 0 : i32
    %dma_start3A_283 = tpu.memref_slice %arg2[%add3A_279, %dma_start3A_282] : memref<8192x2048xf32, #tpu.memory_space<hbm>> -> memref<8x2048xf32, #tpu.memory_space<hbm>>
    tpu.enqueue_dma source(%dma_start3A_283 : memref<8x2048xf32, #tpu.memory_space<hbm>>) target(%arg6 : memref<8x2048xf32, #tpu.memory_space<vmem>>) target_semaphore(%arg13 : memref<!tpu.dma_semaphore, #tpu.memory_space<semaphore_mem>>)
    %dma_wait3A_284 = arith.constant 0 : i32
    %dma_wait3A_285 = tpu.memref_slice %arg2[%add3A_257, %dma_wait3A_284] : memref<8192x2048xf32, #tpu.memory_space<hbm>> -> memref<8x2048xf32, #tpu.memory_space<hbm>>
    %dma_wait3A_286 = arith.constant 0 : i32
    %dma_wait3A_287 = tpu.memref_slice %arg2[%add3A_257, %dma_wait3A_286] : memref<8192x2048xf32, #tpu.memory_space<hbm>> -> memref<8x2048xf32, #tpu.memory_space<hbm>>
    tpu.wait_dma2 semaphore(%arg19 : memref<!tpu.dma_semaphore, #tpu.memory_space<semaphore_mem>>) src(%dma_wait3A_287 : memref<8x2048xf32, #tpu.memory_space<hbm>>) dst(%arg12 : memref<8x2048xf32, #tpu.memory_space<vmem>>)
    %get3A_288 = arith.constant 104 : index
    %get3A_289 = tpu.vector_load %arg5[%get3A_288] {strides = array<i32>} : memref<272xi32, #tpu.memory_space<vmem>>, vector<16xi32>,
    tpu.vector_store_idx %arg12[%iota3A, %get3A_289], %broadcast_in_dim3A_49 masked %lt3A_47 : memref<8x2048xf32, #tpu.memory_space<vmem>>[vector<16xi32>, vector<16xi32>], vector<16xf32>, vector<16xi1>
    %add3A_290 = arith.constant 104 : i32
    %add3A_291 = arith.addi %mul3A_2, %add3A_290 : i32
    %dma_start3A_292 = arith.constant 0 : i32
    %dma_start3A_293 = tpu.memref_slice %arg4[%add3A_291, %dma_start3A_292] : memref<8192x2048xf32, #tpu.memory_space<hbm>> -> memref<8x2048xf32, #tpu.memory_space<hbm>>
    %dma_start3A_294 = arith.constant 0 : i32
    %dma_start3A_295 = tpu.memref_slice %arg4[%add3A_291, %dma_start3A_294] : memref<8192x2048xf32, #tpu.memory_space<hbm>> -> memref<8x2048xf32, #tpu.memory_space<hbm>>
    tpu.enqueue_dma source(%arg12 : memref<8x2048xf32, #tpu.memory_space<vmem>>) target(%dma_start3A_295 : memref<8x2048xf32, #tpu.memory_space<hbm>>) target_semaphore(%arg26 : memref<!tpu.dma_semaphore, #tpu.memory_space<semaphore_mem>>)
    %dma_wait3A_296 = arith.constant 0 : i32
    %dma_wait3A_297 = tpu.memref_slice %arg4[%add3A_181, %dma_wait3A_296] : memref<8192x2048xf32, #tpu.memory_space<hbm>> -> memref<8x2048xf32, #tpu.memory_space<hbm>>
    %dma_wait3A_298 = arith.constant 0 : i32
    %dma_wait3A_299 = tpu.memref_slice %arg4[%add3A_181, %dma_wait3A_298] : memref<8192x2048xf32, #tpu.memory_space<hbm>> -> memref<8x2048xf32, #tpu.memory_space<hbm>>
    tpu.wait_dma2 semaphore(%arg21 : memref<!tpu.dma_semaphore, #tpu.memory_space<semaphore_mem>>) src(%arg7 : memref<8x2048xf32, #tpu.memory_space<vmem>>) dst(%dma_wait3A_299 : memref<8x2048xf32, #tpu.memory_space<hbm>>)
    %add3A_300 = arith.constant 120 : i32
    %add3A_301 = arith.addi %mul3A_2, %add3A_300 : i32
    %dma_start3A_302 = arith.constant 0 : i32
    %dma_start3A_303 = tpu.memref_slice %arg2[%add3A_301, %dma_start3A_302] : memref<8192x2048xf32, #tpu.memory_space<hbm>> -> memref<8x2048xf32, #tpu.memory_space<hbm>>
    %dma_start3A_304 = arith.constant 0 : i32
    %dma_start3A_305 = tpu.memref_slice %arg2[%add3A_301, %dma_start3A_304] : memref<8192x2048xf32, #tpu.memory_space<hbm>> -> memref<8x2048xf32, #tpu.memory_space<hbm>>
    tpu.enqueue_dma source(%dma_start3A_305 : memref<8x2048xf32, #tpu.memory_space<hbm>>) target(%arg7 : memref<8x2048xf32, #tpu.memory_space<vmem>>) target_semaphore(%arg14 : memref<!tpu.dma_semaphore, #tpu.memory_space<semaphore_mem>>)
    %dma_wait3A_306 = arith.constant 0 : i32
    %dma_wait3A_307 = tpu.memref_slice %arg2[%add3A_279, %dma_wait3A_306] : memref<8192x2048xf32, #tpu.memory_space<hbm>> -> memref<8x2048xf32, #tpu.memory_space<hbm>>
    %dma_wait3A_308 = arith.constant 0 : i32
    %dma_wait3A_309 = tpu.memref_slice %arg2[%add3A_279, %dma_wait3A_308] : memref<8192x2048xf32, #tpu.memory_space<hbm>> -> memref<8x2048xf32, #tpu.memory_space<hbm>>
    tpu.wait_dma2 semaphore(%arg13 : memref<!tpu.dma_semaphore, #tpu.memory_space<semaphore_mem>>) src(%dma_wait3A_309 : memref<8x2048xf32, #tpu.memory_space<hbm>>) dst(%arg6 : memref<8x2048xf32, #tpu.memory_space<vmem>>)
    %get3A_310 = arith.constant 112 : index
    %get3A_311 = tpu.vector_load %arg5[%get3A_310] {strides = array<i32>} : memref<272xi32, #tpu.memory_space<vmem>>, vector<16xi32>,
    tpu.vector_store_idx %arg6[%iota3A, %get3A_311], %broadcast_in_dim3A_49 masked %lt3A_47 : memref<8x2048xf32, #tpu.memory_space<vmem>>[vector<16xi32>, vector<16xi32>], vector<16xf32>, vector<16xi1>
    %add3A_312 = arith.constant 112 : i32
    %add3A_313 = arith.addi %mul3A_2, %add3A_312 : i32
    %dma_start3A_314 = arith.constant 0 : i32
    %dma_start3A_315 = tpu.memref_slice %arg4[%add3A_313, %dma_start3A_314] : memref<8192x2048xf32, #tpu.memory_space<hbm>> -> memref<8x2048xf32, #tpu.memory_space<hbm>>
    %dma_start3A_316 = arith.constant 0 : i32
    %dma_start3A_317 = tpu.memref_slice %arg4[%add3A_313, %dma_start3A_316] : memref<8192x2048xf32, #tpu.memory_space<hbm>> -> memref<8x2048xf32, #tpu.memory_space<hbm>>
    tpu.enqueue_dma source(%arg6 : memref<8x2048xf32, #tpu.memory_space<vmem>>) target(%dma_start3A_317 : memref<8x2048xf32, #tpu.memory_space<hbm>>) target_semaphore(%arg20 : memref<!tpu.dma_semaphore, #tpu.memory_space<semaphore_mem>>)
    %dma_wait3A_318 = arith.constant 0 : i32
    %dma_wait3A_319 = tpu.memref_slice %arg4[%add3A_203, %dma_wait3A_318] : memref<8192x2048xf32, #tpu.memory_space<hbm>> -> memref<8x2048xf32, #tpu.memory_space<hbm>>
    %dma_wait3A_320 = arith.constant 0 : i32
    %dma_wait3A_321 = tpu.memref_slice %arg4[%add3A_203, %dma_wait3A_320] : memref<8192x2048xf32, #tpu.memory_space<hbm>> -> memref<8x2048xf32, #tpu.memory_space<hbm>>
    tpu.wait_dma2 semaphore(%arg22 : memref<!tpu.dma_semaphore, #tpu.memory_space<semaphore_mem>>) src(%arg8 : memref<8x2048xf32, #tpu.memory_space<vmem>>) dst(%dma_wait3A_321 : memref<8x2048xf32, #tpu.memory_space<hbm>>)
    %add3A_322 = arith.constant 128 : i32
    %add3A_323 = arith.addi %mul3A_2, %add3A_322 : i32
    %dma_start3A_324 = arith.constant 0 : i32
    %dma_start3A_325 = tpu.memref_slice %arg2[%add3A_323, %dma_start3A_324] : memref<8192x2048xf32, #tpu.memory_space<hbm>> -> memref<8x2048xf32, #tpu.memory_space<hbm>>
    %dma_start3A_326 = arith.constant 0 : i32
    %dma_start3A_327 = tpu.memref_slice %arg2[%add3A_323, %dma_start3A_326] : memref<8192x2048xf32, #tpu.memory_space<hbm>> -> memref<8x2048xf32, #tpu.memory_space<hbm>>
    tpu.enqueue_dma source(%dma_start3A_327 : memref<8x2048xf32, #tpu.memory_space<hbm>>) target(%arg8 : memref<8x2048xf32, #tpu.memory_space<vmem>>) target_semaphore(%arg15 : memref<!tpu.dma_semaphore, #tpu.memory_space<semaphore_mem>>)
    %dma_wait3A_328 = arith.constant 0 : i32
    %dma_wait3A_329 = tpu.memref_slice %arg2[%add3A_301, %dma_wait3A_328] : memref<8192x2048xf32, #tpu.memory_space<hbm>> -> memref<8x2048xf32, #tpu.memory_space<hbm>>
    %dma_wait3A_330 = arith.constant 0 : i32
    %dma_wait3A_331 = tpu.memref_slice %arg2[%add3A_301, %dma_wait3A_330] : memref<8192x2048xf32, #tpu.memory_space<hbm>> -> memref<8x2048xf32, #tpu.memory_space<hbm>>
    tpu.wait_dma2 semaphore(%arg14 : memref<!tpu.dma_semaphore, #tpu.memory_space<semaphore_mem>>) src(%dma_wait3A_331 : memref<8x2048xf32, #tpu.memory_space<hbm>>) dst(%arg7 : memref<8x2048xf32, #tpu.memory_space<vmem>>)
    %get3A_332 = arith.constant 120 : index
    %get3A_333 = tpu.vector_load %arg5[%get3A_332] {strides = array<i32>} : memref<272xi32, #tpu.memory_space<vmem>>, vector<16xi32>,
    tpu.vector_store_idx %arg7[%iota3A, %get3A_333], %broadcast_in_dim3A_49 masked %lt3A_47 : memref<8x2048xf32, #tpu.memory_space<vmem>>[vector<16xi32>, vector<16xi32>], vector<16xf32>, vector<16xi1>
    %add3A_334 = arith.constant 120 : i32
    %add3A_335 = arith.addi %mul3A_2, %add3A_334 : i32
    %dma_start3A_336 = arith.constant 0 : i32
    %dma_start3A_337 = tpu.memref_slice %arg4[%add3A_335, %dma_start3A_336] : memref<8192x2048xf32, #tpu.memory_space<hbm>> -> memref<8x2048xf32, #tpu.memory_space<hbm>>
    %dma_start3A_338 = arith.constant 0 : i32
    %dma_start3A_339 = tpu.memref_slice %arg4[%add3A_335, %dma_start3A_338] : memref<8192x2048xf32, #tpu.memory_space<hbm>> -> memref<8x2048xf32, #tpu.memory_space<hbm>>
    tpu.enqueue_dma source(%arg7 : memref<8x2048xf32, #tpu.memory_space<vmem>>) target(%dma_start3A_339 : memref<8x2048xf32, #tpu.memory_space<hbm>>) target_semaphore(%arg21 : memref<!tpu.dma_semaphore, #tpu.memory_space<semaphore_mem>>)
    %dma_wait3A_340 = arith.constant 0 : i32
    %dma_wait3A_341 = tpu.memref_slice %arg4[%add3A_225, %dma_wait3A_340] : memref<8192x2048xf32, #tpu.memory_space<hbm>> -> memref<8x2048xf32, #tpu.memory_space<hbm>>
    %dma_wait3A_342 = arith.constant 0 : i32
    %dma_wait3A_343 = tpu.memref_slice %arg4[%add3A_225, %dma_wait3A_342] : memref<8192x2048xf32, #tpu.memory_space<hbm>> -> memref<8x2048xf32, #tpu.memory_space<hbm>>
    tpu.wait_dma2 semaphore(%arg23 : memref<!tpu.dma_semaphore, #tpu.memory_space<semaphore_mem>>) src(%arg9 : memref<8x2048xf32, #tpu.memory_space<vmem>>) dst(%dma_wait3A_343 : memref<8x2048xf32, #tpu.memory_space<hbm>>)
    %add3A_344 = arith.constant 136 : i32
    %add3A_345 = arith.addi %mul3A_2, %add3A_344 : i32
    %dma_start3A_346 = arith.constant 0 : i32
    %dma_start3A_347 = tpu.memref_slice %arg2[%add3A_345, %dma_start3A_346] : memref<8192x2048xf32, #tpu.memory_space<hbm>> -> memref<8x2048xf32, #tpu.memory_space<hbm>>
    %dma_start3A_348 = arith.constant 0 : i32
    %dma_start3A_349 = tpu.memref_slice %arg2[%add3A_345, %dma_start3A_348] : memref<8192x2048xf32, #tpu.memory_space<hbm>> -> memref<8x2048xf32, #tpu.memory_space<hbm>>
    tpu.enqueue_dma source(%dma_start3A_349 : memref<8x2048xf32, #tpu.memory_space<hbm>>) target(%arg9 : memref<8x2048xf32, #tpu.memory_space<vmem>>) target_semaphore(%arg16 : memref<!tpu.dma_semaphore, #tpu.memory_space<semaphore_mem>>)
    %dma_wait3A_350 = arith.constant 0 : i32
    %dma_wait3A_351 = tpu.memref_slice %arg2[%add3A_323, %dma_wait3A_350] : memref<8192x2048xf32, #tpu.memory_space<hbm>> -> memref<8x2048xf32, #tpu.memory_space<hbm>>
    %dma_wait3A_352 = arith.constant 0 : i32
    %dma_wait3A_353 = tpu.memref_slice %arg2[%add3A_323, %dma_wait3A_352] : memref<8192x2048xf32, #tpu.memory_space<hbm>> -> memref<8x2048xf32, #tpu.memory_space<hbm>>
    tpu.wait_dma2 semaphore(%arg15 : memref<!tpu.dma_semaphore, #tpu.memory_space<semaphore_mem>>) src(%dma_wait3A_353 : memref<8x2048xf32, #tpu.memory_space<hbm>>) dst(%arg8 : memref<8x2048xf32, #tpu.memory_space<vmem>>)
    %get3A_354 = arith.constant 128 : index
    %get3A_355 = tpu.vector_load %arg5[%get3A_354] {strides = array<i32>} : memref<272xi32, #tpu.memory_space<vmem>>, vector<16xi32>,
    tpu.vector_store_idx %arg8[%iota3A, %get3A_355], %broadcast_in_dim3A_49 masked %lt3A_47 : memref<8x2048xf32, #tpu.memory_space<vmem>>[vector<16xi32>, vector<16xi32>], vector<16xf32>, vector<16xi1>
    %add3A_356 = arith.constant 128 : i32
    %add3A_357 = arith.addi %mul3A_2, %add3A_356 : i32
    %dma_start3A_358 = arith.constant 0 : i32
    %dma_start3A_359 = tpu.memref_slice %arg4[%add3A_357, %dma_start3A_358] : memref<8192x2048xf32, #tpu.memory_space<hbm>> -> memref<8x2048xf32, #tpu.memory_space<hbm>>
    %dma_start3A_360 = arith.constant 0 : i32
    %dma_start3A_361 = tpu.memref_slice %arg4[%add3A_357, %dma_start3A_360] : memref<8192x2048xf32, #tpu.memory_space<hbm>> -> memref<8x2048xf32, #tpu.memory_space<hbm>>
    tpu.enqueue_dma source(%arg8 : memref<8x2048xf32, #tpu.memory_space<vmem>>) target(%dma_start3A_361 : memref<8x2048xf32, #tpu.memory_space<hbm>>) target_semaphore(%arg22 : memref<!tpu.dma_semaphore, #tpu.memory_space<semaphore_mem>>)
    %dma_wait3A_362 = arith.constant 0 : i32
    %dma_wait3A_363 = tpu.memref_slice %arg4[%add3A_247, %dma_wait3A_362] : memref<8192x2048xf32, #tpu.memory_space<hbm>> -> memref<8x2048xf32, #tpu.memory_space<hbm>>
    %dma_wait3A_364 = arith.constant 0 : i32
    %dma_wait3A_365 = tpu.memref_slice %arg4[%add3A_247, %dma_wait3A_364] : memref<8192x2048xf32, #tpu.memory_space<hbm>> -> memref<8x2048xf32, #tpu.memory_space<hbm>>
    tpu.wait_dma2 semaphore(%arg24 : memref<!tpu.dma_semaphore, #tpu.memory_space<semaphore_mem>>) src(%arg10 : memref<8x2048xf32, #tpu.memory_space<vmem>>) dst(%dma_wait3A_365 : memref<8x2048xf32, #tpu.memory_space<hbm>>)
    %add3A_366 = arith.constant 144 : i32
    %add3A_367 = arith.addi %mul3A_2, %add3A_366 : i32
    %dma_start3A_368 = arith.constant 0 : i32
    %dma_start3A_369 = tpu.memref_slice %arg2[%add3A_367, %dma_start3A_368] : memref<8192x2048xf32, #tpu.memory_space<hbm>> -> memref<8x2048xf32, #tpu.memory_space<hbm>>
    %dma_start3A_370 = arith.constant 0 : i32
    %dma_start3A_371 = tpu.memref_slice %arg2[%add3A_367, %dma_start3A_370] : memref<8192x2048xf32, #tpu.memory_space<hbm>> -> memref<8x2048xf32, #tpu.memory_space<hbm>>
    tpu.enqueue_dma source(%dma_start3A_371 : memref<8x2048xf32, #tpu.memory_space<hbm>>) target(%arg10 : memref<8x2048xf32, #tpu.memory_space<vmem>>) target_semaphore(%arg17 : memref<!tpu.dma_semaphore, #tpu.memory_space<semaphore_mem>>)
    %dma_wait3A_372 = arith.constant 0 : i32
    %dma_wait3A_373 = tpu.memref_slice %arg2[%add3A_345, %dma_wait3A_372] : memref<8192x2048xf32, #tpu.memory_space<hbm>> -> memref<8x2048xf32, #tpu.memory_space<hbm>>
    %dma_wait3A_374 = arith.constant 0 : i32
    %dma_wait3A_375 = tpu.memref_slice %arg2[%add3A_345, %dma_wait3A_374] : memref<8192x2048xf32, #tpu.memory_space<hbm>> -> memref<8x2048xf32, #tpu.memory_space<hbm>>
    tpu.wait_dma2 semaphore(%arg16 : memref<!tpu.dma_semaphore, #tpu.memory_space<semaphore_mem>>) src(%dma_wait3A_375 : memref<8x2048xf32, #tpu.memory_space<hbm>>) dst(%arg9 : memref<8x2048xf32, #tpu.memory_space<vmem>>)
    %get3A_376 = arith.constant 136 : index
    %get3A_377 = tpu.vector_load %arg5[%get3A_376] {strides = array<i32>} : memref<272xi32, #tpu.memory_space<vmem>>, vector<16xi32>,
    tpu.vector_store_idx %arg9[%iota3A, %get3A_377], %broadcast_in_dim3A_49 masked %lt3A_47 : memref<8x2048xf32, #tpu.memory_space<vmem>>[vector<16xi32>, vector<16xi32>], vector<16xf32>, vector<16xi1>
    %add3A_378 = arith.constant 136 : i32
    %add3A_379 = arith.addi %mul3A_2, %add3A_378 : i32
    %dma_start3A_380 = arith.constant 0 : i32
    %dma_start3A_381 = tpu.memref_slice %arg4[%add3A_379, %dma_start3A_380] : memref<8192x2048xf32, #tpu.memory_space<hbm>> -> memref<8x2048xf32, #tpu.memory_space<hbm>>
    %dma_start3A_382 = arith.constant 0 : i32
    %dma_start3A_383 = tpu.memref_slice %arg4[%add3A_379, %dma_start3A_382] : memref<8192x2048xf32, #tpu.memory_space<hbm>> -> memref<8x2048xf32, #tpu.memory_space<hbm>>
    tpu.enqueue_dma source(%arg9 : memref<8x2048xf32, #tpu.memory_space<vmem>>) target(%dma_start3A_383 : memref<8x2048xf32, #tpu.memory_space<hbm>>) target_semaphore(%arg23 : memref<!tpu.dma_semaphore, #tpu.memory_space<semaphore_mem>>)
    %dma_wait3A_384 = arith.constant 0 : i32
    %dma_wait3A_385 = tpu.memref_slice %arg4[%add3A_269, %dma_wait3A_384] : memref<8192x2048xf32, #tpu.memory_space<hbm>> -> memref<8x2048xf32, #tpu.memory_space<hbm>>
    %dma_wait3A_386 = arith.constant 0 : i32
    %dma_wait3A_387 = tpu.memref_slice %arg4[%add3A_269, %dma_wait3A_386] : memref<8192x2048xf32, #tpu.memory_space<hbm>> -> memref<8x2048xf32, #tpu.memory_space<hbm>>
    tpu.wait_dma2 semaphore(%arg25 : memref<!tpu.dma_semaphore, #tpu.memory_space<semaphore_mem>>) src(%arg11 : memref<8x2048xf32, #tpu.memory_space<vmem>>) dst(%dma_wait3A_387 : memref<8x2048xf32, #tpu.memory_space<hbm>>)
    %add3A_388 = arith.constant 152 : i32
    %add3A_389 = arith.addi %mul3A_2, %add3A_388 : i32
    %dma_start3A_390 = arith.constant 0 : i32
    %dma_start3A_391 = tpu.memref_slice %arg2[%add3A_389, %dma_start3A_390] : memref<8192x2048xf32, #tpu.memory_space<hbm>> -> memref<8x2048xf32, #tpu.memory_space<hbm>>
    %dma_start3A_392 = arith.constant 0 : i32
    %dma_start3A_393 = tpu.memref_slice %arg2[%add3A_389, %dma_start3A_392] : memref<8192x2048xf32, #tpu.memory_space<hbm>> -> memref<8x2048xf32, #tpu.memory_space<hbm>>
    tpu.enqueue_dma source(%dma_start3A_393 : memref<8x2048xf32, #tpu.memory_space<hbm>>) target(%arg11 : memref<8x2048xf32, #tpu.memory_space<vmem>>) target_semaphore(%arg18 : memref<!tpu.dma_semaphore, #tpu.memory_space<semaphore_mem>>)
    %dma_wait3A_394 = arith.constant 0 : i32
    %dma_wait3A_395 = tpu.memref_slice %arg2[%add3A_367, %dma_wait3A_394] : memref<8192x2048xf32, #tpu.memory_space<hbm>> -> memref<8x2048xf32, #tpu.memory_space<hbm>>
    %dma_wait3A_396 = arith.constant 0 : i32
    %dma_wait3A_397 = tpu.memref_slice %arg2[%add3A_367, %dma_wait3A_396] : memref<8192x2048xf32, #tpu.memory_space<hbm>> -> memref<8x2048xf32, #tpu.memory_space<hbm>>
    tpu.wait_dma2 semaphore(%arg17 : memref<!tpu.dma_semaphore, #tpu.memory_space<semaphore_mem>>) src(%dma_wait3A_397 : memref<8x2048xf32, #tpu.memory_space<hbm>>) dst(%arg10 : memref<8x2048xf32, #tpu.memory_space<vmem>>)
    %get3A_398 = arith.constant 144 : index
    %get3A_399 = tpu.vector_load %arg5[%get3A_398] {strides = array<i32>} : memref<272xi32, #tpu.memory_space<vmem>>, vector<16xi32>,
    tpu.vector_store_idx %arg10[%iota3A, %get3A_399], %broadcast_in_dim3A_49 masked %lt3A_47 : memref<8x2048xf32, #tpu.memory_space<vmem>>[vector<16xi32>, vector<16xi32>], vector<16xf32>, vector<16xi1>
    %add3A_400 = arith.constant 144 : i32
    %add3A_401 = arith.addi %mul3A_2, %add3A_400 : i32
    %dma_start3A_402 = arith.constant 0 : i32
    %dma_start3A_403 = tpu.memref_slice %arg4[%add3A_401, %dma_start3A_402] : memref<8192x2048xf32, #tpu.memory_space<hbm>> -> memref<8x2048xf32, #tpu.memory_space<hbm>>
    %dma_start3A_404 = arith.constant 0 : i32
    %dma_start3A_405 = tpu.memref_slice %arg4[%add3A_401, %dma_start3A_404] : memref<8192x2048xf32, #tpu.memory_space<hbm>> -> memref<8x2048xf32, #tpu.memory_space<hbm>>
    tpu.enqueue_dma source(%arg10 : memref<8x2048xf32, #tpu.memory_space<vmem>>) target(%dma_start3A_405 : memref<8x2048xf32, #tpu.memory_space<hbm>>) target_semaphore(%arg24 : memref<!tpu.dma_semaphore, #tpu.memory_space<semaphore_mem>>)
    %dma_wait3A_406 = arith.constant 0 : i32
    %dma_wait3A_407 = tpu.memref_slice %arg4[%add3A_291, %dma_wait3A_406] : memref<8192x2048xf32, #tpu.memory_space<hbm>> -> memref<8x2048xf32, #tpu.memory_space<hbm>>
    %dma_wait3A_408 = arith.constant 0 : i32
    %dma_wait3A_409 = tpu.memref_slice %arg4[%add3A_291, %dma_wait3A_408] : memref<8192x2048xf32, #tpu.memory_space<hbm>> -> memref<8x2048xf32, #tpu.memory_space<hbm>>
    tpu.wait_dma2 semaphore(%arg26 : memref<!tpu.dma_semaphore, #tpu.memory_space<semaphore_mem>>) src(%arg12 : memref<8x2048xf32, #tpu.memory_space<vmem>>) dst(%dma_wait3A_409 : memref<8x2048xf32, #tpu.memory_space<hbm>>)
    %add3A_410 = arith.constant 160 : i32
    %add3A_411 = arith.addi %mul3A_2, %add3A_410 : i32
    %dma_start3A_412 = arith.constant 0 : i32
    %dma_start3A_413 = tpu.memref_slice %arg2[%add3A_411, %dma_start3A_412] : memref<8192x2048xf32, #tpu.memory_space<hbm>> -> memref<8x2048xf32, #tpu.memory_space<hbm>>
    %dma_start3A_414 = arith.constant 0 : i32
    %dma_start3A_415 = tpu.memref_slice %arg2[%add3A_411, %dma_start3A_414] : memref<8192x2048xf32, #tpu.memory_space<hbm>> -> memref<8x2048xf32, #tpu.memory_space<hbm>>
    tpu.enqueue_dma source(%dma_start3A_415 : memref<8x2048xf32, #tpu.memory_space<hbm>>) target(%arg12 : memref<8x2048xf32, #tpu.memory_space<vmem>>) target_semaphore(%arg19 : memref<!tpu.dma_semaphore, #tpu.memory_space<semaphore_mem>>)
    %dma_wait3A_416 = arith.constant 0 : i32
    %dma_wait3A_417 = tpu.memref_slice %arg2[%add3A_389, %dma_wait3A_416] : memref<8192x2048xf32, #tpu.memory_space<hbm>> -> memref<8x2048xf32, #tpu.memory_space<hbm>>
    %dma_wait3A_418 = arith.constant 0 : i32
    %dma_wait3A_419 = tpu.memref_slice %arg2[%add3A_389, %dma_wait3A_418] : memref<8192x2048xf32, #tpu.memory_space<hbm>> -> memref<8x2048xf32, #tpu.memory_space<hbm>>
    tpu.wait_dma2 semaphore(%arg18 : memref<!tpu.dma_semaphore, #tpu.memory_space<semaphore_mem>>) src(%dma_wait3A_419 : memref<8x2048xf32, #tpu.memory_space<hbm>>) dst(%arg11 : memref<8x2048xf32, #tpu.memory_space<vmem>>)
    %get3A_420 = arith.constant 152 : index
    %get3A_421 = tpu.vector_load %arg5[%get3A_420] {strides = array<i32>} : memref<272xi32, #tpu.memory_space<vmem>>, vector<16xi32>,
    tpu.vector_store_idx %arg11[%iota3A, %get3A_421], %broadcast_in_dim3A_49 masked %lt3A_47 : memref<8x2048xf32, #tpu.memory_space<vmem>>[vector<16xi32>, vector<16xi32>], vector<16xf32>, vector<16xi1>
    %add3A_422 = arith.constant 152 : i32
    %add3A_423 = arith.addi %mul3A_2, %add3A_422 : i32
    %dma_start3A_424 = arith.constant 0 : i32
    %dma_start3A_425 = tpu.memref_slice %arg4[%add3A_423, %dma_start3A_424] : memref<8192x2048xf32, #tpu.memory_space<hbm>> -> memref<8x2048xf32, #tpu.memory_space<hbm>>
    %dma_start3A_426 = arith.constant 0 : i32
    %dma_start3A_427 = tpu.memref_slice %arg4[%add3A_423, %dma_start3A_426] : memref<8192x2048xf32, #tpu.memory_space<hbm>> -> memref<8x2048xf32, #tpu.memory_space<hbm>>
    tpu.enqueue_dma source(%arg11 : memref<8x2048xf32, #tpu.memory_space<vmem>>) target(%dma_start3A_427 : memref<8x2048xf32, #tpu.memory_space<hbm>>) target_semaphore(%arg25 : memref<!tpu.dma_semaphore, #tpu.memory_space<semaphore_mem>>)
    %dma_wait3A_428 = arith.constant 0 : i32
    %dma_wait3A_429 = tpu.memref_slice %arg4[%add3A_313, %dma_wait3A_428] : memref<8192x2048xf32, #tpu.memory_space<hbm>> -> memref<8x2048xf32, #tpu.memory_space<hbm>>
    %dma_wait3A_430 = arith.constant 0 : i32
    %dma_wait3A_431 = tpu.memref_slice %arg4[%add3A_313, %dma_wait3A_430] : memref<8192x2048xf32, #tpu.memory_space<hbm>> -> memref<8x2048xf32, #tpu.memory_space<hbm>>
    tpu.wait_dma2 semaphore(%arg20 : memref<!tpu.dma_semaphore, #tpu.memory_space<semaphore_mem>>) src(%arg6 : memref<8x2048xf32, #tpu.memory_space<vmem>>) dst(%dma_wait3A_431 : memref<8x2048xf32, #tpu.memory_space<hbm>>)
    %add3A_432 = arith.constant 168 : i32
    %add3A_433 = arith.addi %mul3A_2, %add3A_432 : i32
    %dma_start3A_434 = arith.constant 0 : i32
    %dma_start3A_435 = tpu.memref_slice %arg2[%add3A_433, %dma_start3A_434] : memref<8192x2048xf32, #tpu.memory_space<hbm>> -> memref<8x2048xf32, #tpu.memory_space<hbm>>
    %dma_start3A_436 = arith.constant 0 : i32
    %dma_start3A_437 = tpu.memref_slice %arg2[%add3A_433, %dma_start3A_436] : memref<8192x2048xf32, #tpu.memory_space<hbm>> -> memref<8x2048xf32, #tpu.memory_space<hbm>>
    tpu.enqueue_dma source(%dma_start3A_437 : memref<8x2048xf32, #tpu.memory_space<hbm>>) target(%arg6 : memref<8x2048xf32, #tpu.memory_space<vmem>>) target_semaphore(%arg13 : memref<!tpu.dma_semaphore, #tpu.memory_space<semaphore_mem>>)
    %dma_wait3A_438 = arith.constant 0 : i32
    %dma_wait3A_439 = tpu.memref_slice %arg2[%add3A_411, %dma_wait3A_438] : memref<8192x2048xf32, #tpu.memory_space<hbm>> -> memref<8x2048xf32, #tpu.memory_space<hbm>>
    %dma_wait3A_440 = arith.constant 0 : i32
    %dma_wait3A_441 = tpu.memref_slice %arg2[%add3A_411, %dma_wait3A_440] : memref<8192x2048xf32, #tpu.memory_space<hbm>> -> memref<8x2048xf32, #tpu.memory_space<hbm>>
    tpu.wait_dma2 semaphore(%arg19 : memref<!tpu.dma_semaphore, #tpu.memory_space<semaphore_mem>>) src(%dma_wait3A_441 : memref<8x2048xf32, #tpu.memory_space<hbm>>) dst(%arg12 : memref<8x2048xf32, #tpu.memory_space<vmem>>)
    %get3A_442 = arith.constant 160 : index
    %get3A_443 = tpu.vector_load %arg5[%get3A_442] {strides = array<i32>} : memref<272xi32, #tpu.memory_space<vmem>>, vector<16xi32>,
    tpu.vector_store_idx %arg12[%iota3A, %get3A_443], %broadcast_in_dim3A_49 masked %lt3A_47 : memref<8x2048xf32, #tpu.memory_space<vmem>>[vector<16xi32>, vector<16xi32>], vector<16xf32>, vector<16xi1>
    %add3A_444 = arith.constant 160 : i32
    %add3A_445 = arith.addi %mul3A_2, %add3A_444 : i32
    %dma_start3A_446 = arith.constant 0 : i32
    %dma_start3A_447 = tpu.memref_slice %arg4[%add3A_445, %dma_start3A_446] : memref<8192x2048xf32, #tpu.memory_space<hbm>> -> memref<8x2048xf32, #tpu.memory_space<hbm>>
    %dma_start3A_448 = arith.constant 0 : i32
    %dma_start3A_449 = tpu.memref_slice %arg4[%add3A_445, %dma_start3A_448] : memref<8192x2048xf32, #tpu.memory_space<hbm>> -> memref<8x2048xf32, #tpu.memory_space<hbm>>
    tpu.enqueue_dma source(%arg12 : memref<8x2048xf32, #tpu.memory_space<vmem>>) target(%dma_start3A_449 : memref<8x2048xf32, #tpu.memory_space<hbm>>) target_semaphore(%arg26 : memref<!tpu.dma_semaphore, #tpu.memory_space<semaphore_mem>>)
    %dma_wait3A_450 = arith.constant 0 : i32
    %dma_wait3A_451 = tpu.memref_slice %arg4[%add3A_335, %dma_wait3A_450] : memref<8192x2048xf32, #tpu.memory_space<hbm>> -> memref<8x2048xf32, #tpu.memory_space<hbm>>
    %dma_wait3A_452 = arith.constant 0 : i32
    %dma_wait3A_453 = tpu.memref_slice %arg4[%add3A_335, %dma_wait3A_452] : memref<8192x2048xf32, #tpu.memory_space<hbm>> -> memref<8x2048xf32, #tpu.memory_space<hbm>>
    tpu.wait_dma2 semaphore(%arg21 : memref<!tpu.dma_semaphore, #tpu.memory_space<semaphore_mem>>) src(%arg7 : memref<8x2048xf32, #tpu.memory_space<vmem>>) dst(%dma_wait3A_453 : memref<8x2048xf32, #tpu.memory_space<hbm>>)
    %add3A_454 = arith.constant 176 : i32
    %add3A_455 = arith.addi %mul3A_2, %add3A_454 : i32
    %dma_start3A_456 = arith.constant 0 : i32
    %dma_start3A_457 = tpu.memref_slice %arg2[%add3A_455, %dma_start3A_456] : memref<8192x2048xf32, #tpu.memory_space<hbm>> -> memref<8x2048xf32, #tpu.memory_space<hbm>>
    %dma_start3A_458 = arith.constant 0 : i32
    %dma_start3A_459 = tpu.memref_slice %arg2[%add3A_455, %dma_start3A_458] : memref<8192x2048xf32, #tpu.memory_space<hbm>> -> memref<8x2048xf32, #tpu.memory_space<hbm>>
    tpu.enqueue_dma source(%dma_start3A_459 : memref<8x2048xf32, #tpu.memory_space<hbm>>) target(%arg7 : memref<8x2048xf32, #tpu.memory_space<vmem>>) target_semaphore(%arg14 : memref<!tpu.dma_semaphore, #tpu.memory_space<semaphore_mem>>)
    %dma_wait3A_460 = arith.constant 0 : i32
    %dma_wait3A_461 = tpu.memref_slice %arg2[%add3A_433, %dma_wait3A_460] : memref<8192x2048xf32, #tpu.memory_space<hbm>> -> memref<8x2048xf32, #tpu.memory_space<hbm>>
    %dma_wait3A_462 = arith.constant 0 : i32
    %dma_wait3A_463 = tpu.memref_slice %arg2[%add3A_433, %dma_wait3A_462] : memref<8192x2048xf32, #tpu.memory_space<hbm>> -> memref<8x2048xf32, #tpu.memory_space<hbm>>
    tpu.wait_dma2 semaphore(%arg13 : memref<!tpu.dma_semaphore, #tpu.memory_space<semaphore_mem>>) src(%dma_wait3A_463 : memref<8x2048xf32, #tpu.memory_space<hbm>>) dst(%arg6 : memref<8x2048xf32, #tpu.memory_space<vmem>>)
    %get3A_464 = arith.constant 168 : index
    %get3A_465 = tpu.vector_load %arg5[%get3A_464] {strides = array<i32>} : memref<272xi32, #tpu.memory_space<vmem>>, vector<16xi32>,
    tpu.vector_store_idx %arg6[%iota3A, %get3A_465], %broadcast_in_dim3A_49 masked %lt3A_47 : memref<8x2048xf32, #tpu.memory_space<vmem>>[vector<16xi32>, vector<16xi32>], vector<16xf32>, vector<16xi1>
    %add3A_466 = arith.constant 168 : i32
    %add3A_467 = arith.addi %mul3A_2, %add3A_466 : i32
    %dma_start3A_468 = arith.constant 0 : i32
    %dma_start3A_469 = tpu.memref_slice %arg4[%add3A_467, %dma_start3A_468] : memref<8192x2048xf32, #tpu.memory_space<hbm>> -> memref<8x2048xf32, #tpu.memory_space<hbm>>
    %dma_start3A_470 = arith.constant 0 : i32
    %dma_start3A_471 = tpu.memref_slice %arg4[%add3A_467, %dma_start3A_470] : memref<8192x2048xf32, #tpu.memory_space<hbm>> -> memref<8x2048xf32, #tpu.memory_space<hbm>>
    tpu.enqueue_dma source(%arg6 : memref<8x2048xf32, #tpu.memory_space<vmem>>) target(%dma_start3A_471 : memref<8x2048xf32, #tpu.memory_space<hbm>>) target_semaphore(%arg20 : memref<!tpu.dma_semaphore, #tpu.memory_space<semaphore_mem>>)
    %dma_wait3A_472 = arith.constant 0 : i32
    %dma_wait3A_473 = tpu.memref_slice %arg4[%add3A_357, %dma_wait3A_472] : memref<8192x2048xf32, #tpu.memory_space<hbm>> -> memref<8x2048xf32, #tpu.memory_space<hbm>>
    %dma_wait3A_474 = arith.constant 0 : i32
    %dma_wait3A_475 = tpu.memref_slice %arg4[%add3A_357, %dma_wait3A_474] : memref<8192x2048xf32, #tpu.memory_space<hbm>> -> memref<8x2048xf32, #tpu.memory_space<hbm>>
    tpu.wait_dma2 semaphore(%arg22 : memref<!tpu.dma_semaphore, #tpu.memory_space<semaphore_mem>>) src(%arg8 : memref<8x2048xf32, #tpu.memory_space<vmem>>) dst(%dma_wait3A_475 : memref<8x2048xf32, #tpu.memory_space<hbm>>)
    %add3A_476 = arith.constant 184 : i32
    %add3A_477 = arith.addi %mul3A_2, %add3A_476 : i32
    %dma_start3A_478 = arith.constant 0 : i32
    %dma_start3A_479 = tpu.memref_slice %arg2[%add3A_477, %dma_start3A_478] : memref<8192x2048xf32, #tpu.memory_space<hbm>> -> memref<8x2048xf32, #tpu.memory_space<hbm>>
    %dma_start3A_480 = arith.constant 0 : i32
    %dma_start3A_481 = tpu.memref_slice %arg2[%add3A_477, %dma_start3A_480] : memref<8192x2048xf32, #tpu.memory_space<hbm>> -> memref<8x2048xf32, #tpu.memory_space<hbm>>
    tpu.enqueue_dma source(%dma_start3A_481 : memref<8x2048xf32, #tpu.memory_space<hbm>>) target(%arg8 : memref<8x2048xf32, #tpu.memory_space<vmem>>) target_semaphore(%arg15 : memref<!tpu.dma_semaphore, #tpu.memory_space<semaphore_mem>>)
    %dma_wait3A_482 = arith.constant 0 : i32
    %dma_wait3A_483 = tpu.memref_slice %arg2[%add3A_455, %dma_wait3A_482] : memref<8192x2048xf32, #tpu.memory_space<hbm>> -> memref<8x2048xf32, #tpu.memory_space<hbm>>
    %dma_wait3A_484 = arith.constant 0 : i32
    %dma_wait3A_485 = tpu.memref_slice %arg2[%add3A_455, %dma_wait3A_484] : memref<8192x2048xf32, #tpu.memory_space<hbm>> -> memref<8x2048xf32, #tpu.memory_space<hbm>>
    tpu.wait_dma2 semaphore(%arg14 : memref<!tpu.dma_semaphore, #tpu.memory_space<semaphore_mem>>) src(%dma_wait3A_485 : memref<8x2048xf32, #tpu.memory_space<hbm>>) dst(%arg7 : memref<8x2048xf32, #tpu.memory_space<vmem>>)
    %get3A_486 = arith.constant 176 : index
    %get3A_487 = tpu.vector_load %arg5[%get3A_486] {strides = array<i32>} : memref<272xi32, #tpu.memory_space<vmem>>, vector<16xi32>,
    tpu.vector_store_idx %arg7[%iota3A, %get3A_487], %broadcast_in_dim3A_49 masked %lt3A_47 : memref<8x2048xf32, #tpu.memory_space<vmem>>[vector<16xi32>, vector<16xi32>], vector<16xf32>, vector<16xi1>
    %add3A_488 = arith.constant 176 : i32
    %add3A_489 = arith.addi %mul3A_2, %add3A_488 : i32
    %dma_start3A_490 = arith.constant 0 : i32
    %dma_start3A_491 = tpu.memref_slice %arg4[%add3A_489, %dma_start3A_490] : memref<8192x2048xf32, #tpu.memory_space<hbm>> -> memref<8x2048xf32, #tpu.memory_space<hbm>>
    %dma_start3A_492 = arith.constant 0 : i32
    %dma_start3A_493 = tpu.memref_slice %arg4[%add3A_489, %dma_start3A_492] : memref<8192x2048xf32, #tpu.memory_space<hbm>> -> memref<8x2048xf32, #tpu.memory_space<hbm>>
    tpu.enqueue_dma source(%arg7 : memref<8x2048xf32, #tpu.memory_space<vmem>>) target(%dma_start3A_493 : memref<8x2048xf32, #tpu.memory_space<hbm>>) target_semaphore(%arg21 : memref<!tpu.dma_semaphore, #tpu.memory_space<semaphore_mem>>)
    %dma_wait3A_494 = arith.constant 0 : i32
    %dma_wait3A_495 = tpu.memref_slice %arg4[%add3A_379, %dma_wait3A_494] : memref<8192x2048xf32, #tpu.memory_space<hbm>> -> memref<8x2048xf32, #tpu.memory_space<hbm>>
    %dma_wait3A_496 = arith.constant 0 : i32
    %dma_wait3A_497 = tpu.memref_slice %arg4[%add3A_379, %dma_wait3A_496] : memref<8192x2048xf32, #tpu.memory_space<hbm>> -> memref<8x2048xf32, #tpu.memory_space<hbm>>
    tpu.wait_dma2 semaphore(%arg23 : memref<!tpu.dma_semaphore, #tpu.memory_space<semaphore_mem>>) src(%arg9 : memref<8x2048xf32, #tpu.memory_space<vmem>>) dst(%dma_wait3A_497 : memref<8x2048xf32, #tpu.memory_space<hbm>>)
    %add3A_498 = arith.constant 192 : i32
    %add3A_499 = arith.addi %mul3A_2, %add3A_498 : i32
    %dma_start3A_500 = arith.constant 0 : i32
    %dma_start3A_501 = tpu.memref_slice %arg2[%add3A_499, %dma_start3A_500] : memref<8192x2048xf32, #tpu.memory_space<hbm>> -> memref<8x2048xf32, #tpu.memory_space<hbm>>
    %dma_start3A_502 = arith.constant 0 : i32
    %dma_start3A_503 = tpu.memref_slice %arg2[%add3A_499, %dma_start3A_502] : memref<8192x2048xf32, #tpu.memory_space<hbm>> -> memref<8x2048xf32, #tpu.memory_space<hbm>>
    tpu.enqueue_dma source(%dma_start3A_503 : memref<8x2048xf32, #tpu.memory_space<hbm>>) target(%arg9 : memref<8x2048xf32, #tpu.memory_space<vmem>>) target_semaphore(%arg16 : memref<!tpu.dma_semaphore, #tpu.memory_space<semaphore_mem>>)
    %dma_wait3A_504 = arith.constant 0 : i32
    %dma_wait3A_505 = tpu.memref_slice %arg2[%add3A_477, %dma_wait3A_504] : memref<8192x2048xf32, #tpu.memory_space<hbm>> -> memref<8x2048xf32, #tpu.memory_space<hbm>>
    %dma_wait3A_506 = arith.constant 0 : i32
    %dma_wait3A_507 = tpu.memref_slice %arg2[%add3A_477, %dma_wait3A_506] : memref<8192x2048xf32, #tpu.memory_space<hbm>> -> memref<8x2048xf32, #tpu.memory_space<hbm>>
    tpu.wait_dma2 semaphore(%arg15 : memref<!tpu.dma_semaphore, #tpu.memory_space<semaphore_mem>>) src(%dma_wait3A_507 : memref<8x2048xf32, #tpu.memory_space<hbm>>) dst(%arg8 : memref<8x2048xf32, #tpu.memory_space<vmem>>)
    %get3A_508 = arith.constant 184 : index
    %get3A_509 = tpu.vector_load %arg5[%get3A_508] {strides = array<i32>} : memref<272xi32, #tpu.memory_space<vmem>>, vector<16xi32>,
    tpu.vector_store_idx %arg8[%iota3A, %get3A_509], %broadcast_in_dim3A_49 masked %lt3A_47 : memref<8x2048xf32, #tpu.memory_space<vmem>>[vector<16xi32>, vector<16xi32>], vector<16xf32>, vector<16xi1>
    %add3A_510 = arith.constant 184 : i32
    %add3A_511 = arith.addi %mul3A_2, %add3A_510 : i32
    %dma_start3A_512 = arith.constant 0 : i32
    %dma_start3A_513 = tpu.memref_slice %arg4[%add3A_511, %dma_start3A_512] : memref<8192x2048xf32, #tpu.memory_space<hbm>> -> memref<8x2048xf32, #tpu.memory_space<hbm>>
    %dma_start3A_514 = arith.constant 0 : i32
    %dma_start3A_515 = tpu.memref_slice %arg4[%add3A_511, %dma_start3A_514] : memref<8192x2048xf32, #tpu.memory_space<hbm>> -> memref<8x2048xf32, #tpu.memory_space<hbm>>
    tpu.enqueue_dma source(%arg8 : memref<8x2048xf32, #tpu.memory_space<vmem>>) target(%dma_start3A_515 : memref<8x2048xf32, #tpu.memory_space<hbm>>) target_semaphore(%arg22 : memref<!tpu.dma_semaphore, #tpu.memory_space<semaphore_mem>>)
    %dma_wait3A_516 = arith.constant 0 : i32
    %dma_wait3A_517 = tpu.memref_slice %arg4[%add3A_401, %dma_wait3A_516] : memref<8192x2048xf32, #tpu.memory_space<hbm>> -> memref<8x2048xf32, #tpu.memory_space<hbm>>
    %dma_wait3A_518 = arith.constant 0 : i32
    %dma_wait3A_519 = tpu.memref_slice %arg4[%add3A_401, %dma_wait3A_518] : memref<8192x2048xf32, #tpu.memory_space<hbm>> -> memref<8x2048xf32, #tpu.memory_space<hbm>>
    tpu.wait_dma2 semaphore(%arg24 : memref<!tpu.dma_semaphore, #tpu.memory_space<semaphore_mem>>) src(%arg10 : memref<8x2048xf32, #tpu.memory_space<vmem>>) dst(%dma_wait3A_519 : memref<8x2048xf32, #tpu.memory_space<hbm>>)
    %add3A_520 = arith.constant 200 : i32
    %add3A_521 = arith.addi %mul3A_2, %add3A_520 : i32
    %dma_start3A_522 = arith.constant 0 : i32
    %dma_start3A_523 = tpu.memref_slice %arg2[%add3A_521, %dma_start3A_522] : memref<8192x2048xf32, #tpu.memory_space<hbm>> -> memref<8x2048xf32, #tpu.memory_space<hbm>>
    %dma_start3A_524 = arith.constant 0 : i32
    %dma_start3A_525 = tpu.memref_slice %arg2[%add3A_521, %dma_start3A_524] : memref<8192x2048xf32, #tpu.memory_space<hbm>> -> memref<8x2048xf32, #tpu.memory_space<hbm>>
    tpu.enqueue_dma source(%dma_start3A_525 : memref<8x2048xf32, #tpu.memory_space<hbm>>) target(%arg10 : memref<8x2048xf32, #tpu.memory_space<vmem>>) target_semaphore(%arg17 : memref<!tpu.dma_semaphore, #tpu.memory_space<semaphore_mem>>)
    %dma_wait3A_526 = arith.constant 0 : i32
    %dma_wait3A_527 = tpu.memref_slice %arg2[%add3A_499, %dma_wait3A_526] : memref<8192x2048xf32, #tpu.memory_space<hbm>> -> memref<8x2048xf32, #tpu.memory_space<hbm>>
    %dma_wait3A_528 = arith.constant 0 : i32
    %dma_wait3A_529 = tpu.memref_slice %arg2[%add3A_499, %dma_wait3A_528] : memref<8192x2048xf32, #tpu.memory_space<hbm>> -> memref<8x2048xf32, #tpu.memory_space<hbm>>
    tpu.wait_dma2 semaphore(%arg16 : memref<!tpu.dma_semaphore, #tpu.memory_space<semaphore_mem>>) src(%dma_wait3A_529 : memref<8x2048xf32, #tpu.memory_space<hbm>>) dst(%arg9 : memref<8x2048xf32, #tpu.memory_space<vmem>>)
    %get3A_530 = arith.constant 192 : index
    %get3A_531 = tpu.vector_load %arg5[%get3A_530] {strides = array<i32>} : memref<272xi32, #tpu.memory_space<vmem>>, vector<16xi32>,
    tpu.vector_store_idx %arg9[%iota3A, %get3A_531], %broadcast_in_dim3A_49 masked %lt3A_47 : memref<8x2048xf32, #tpu.memory_space<vmem>>[vector<16xi32>, vector<16xi32>], vector<16xf32>, vector<16xi1>
    %add3A_532 = arith.constant 192 : i32
    %add3A_533 = arith.addi %mul3A_2, %add3A_532 : i32
    %dma_start3A_534 = arith.constant 0 : i32
    %dma_start3A_535 = tpu.memref_slice %arg4[%add3A_533, %dma_start3A_534] : memref<8192x2048xf32, #tpu.memory_space<hbm>> -> memref<8x2048xf32, #tpu.memory_space<hbm>>
    %dma_start3A_536 = arith.constant 0 : i32
    %dma_start3A_537 = tpu.memref_slice %arg4[%add3A_533, %dma_start3A_536] : memref<8192x2048xf32, #tpu.memory_space<hbm>> -> memref<8x2048xf32, #tpu.memory_space<hbm>>
    tpu.enqueue_dma source(%arg9 : memref<8x2048xf32, #tpu.memory_space<vmem>>) target(%dma_start3A_537 : memref<8x2048xf32, #tpu.memory_space<hbm>>) target_semaphore(%arg23 : memref<!tpu.dma_semaphore, #tpu.memory_space<semaphore_mem>>)
    %dma_wait3A_538 = arith.constant 0 : i32
    %dma_wait3A_539 = tpu.memref_slice %arg4[%add3A_423, %dma_wait3A_538] : memref<8192x2048xf32, #tpu.memory_space<hbm>> -> memref<8x2048xf32, #tpu.memory_space<hbm>>
    %dma_wait3A_540 = arith.constant 0 : i32
    %dma_wait3A_541 = tpu.memref_slice %arg4[%add3A_423, %dma_wait3A_540] : memref<8192x2048xf32, #tpu.memory_space<hbm>> -> memref<8x2048xf32, #tpu.memory_space<hbm>>
    tpu.wait_dma2 semaphore(%arg25 : memref<!tpu.dma_semaphore, #tpu.memory_space<semaphore_mem>>) src(%arg11 : memref<8x2048xf32, #tpu.memory_space<vmem>>) dst(%dma_wait3A_541 : memref<8x2048xf32, #tpu.memory_space<hbm>>)
    %add3A_542 = arith.constant 208 : i32
    %add3A_543 = arith.addi %mul3A_2, %add3A_542 : i32
    %dma_start3A_544 = arith.constant 0 : i32
    %dma_start3A_545 = tpu.memref_slice %arg2[%add3A_543, %dma_start3A_544] : memref<8192x2048xf32, #tpu.memory_space<hbm>> -> memref<8x2048xf32, #tpu.memory_space<hbm>>
    %dma_start3A_546 = arith.constant 0 : i32
    %dma_start3A_547 = tpu.memref_slice %arg2[%add3A_543, %dma_start3A_546] : memref<8192x2048xf32, #tpu.memory_space<hbm>> -> memref<8x2048xf32, #tpu.memory_space<hbm>>
    tpu.enqueue_dma source(%dma_start3A_547 : memref<8x2048xf32, #tpu.memory_space<hbm>>) target(%arg11 : memref<8x2048xf32, #tpu.memory_space<vmem>>) target_semaphore(%arg18 : memref<!tpu.dma_semaphore, #tpu.memory_space<semaphore_mem>>)
    %dma_wait3A_548 = arith.constant 0 : i32
    %dma_wait3A_549 = tpu.memref_slice %arg2[%add3A_521, %dma_wait3A_548] : memref<8192x2048xf32, #tpu.memory_space<hbm>> -> memref<8x2048xf32, #tpu.memory_space<hbm>>
    %dma_wait3A_550 = arith.constant 0 : i32
    %dma_wait3A_551 = tpu.memref_slice %arg2[%add3A_521, %dma_wait3A_550] : memref<8192x2048xf32, #tpu.memory_space<hbm>> -> memref<8x2048xf32, #tpu.memory_space<hbm>>
    tpu.wait_dma2 semaphore(%arg17 : memref<!tpu.dma_semaphore, #tpu.memory_space<semaphore_mem>>) src(%dma_wait3A_551 : memref<8x2048xf32, #tpu.memory_space<hbm>>) dst(%arg10 : memref<8x2048xf32, #tpu.memory_space<vmem>>)
    %get3A_552 = arith.constant 200 : index
    %get3A_553 = tpu.vector_load %arg5[%get3A_552] {strides = array<i32>} : memref<272xi32, #tpu.memory_space<vmem>>, vector<16xi32>,
    tpu.vector_store_idx %arg10[%iota3A, %get3A_553], %broadcast_in_dim3A_49 masked %lt3A_47 : memref<8x2048xf32, #tpu.memory_space<vmem>>[vector<16xi32>, vector<16xi32>], vector<16xf32>, vector<16xi1>
    %add3A_554 = arith.constant 200 : i32
    %add3A_555 = arith.addi %mul3A_2, %add3A_554 : i32
    %dma_start3A_556 = arith.constant 0 : i32
    %dma_start3A_557 = tpu.memref_slice %arg4[%add3A_555, %dma_start3A_556] : memref<8192x2048xf32, #tpu.memory_space<hbm>> -> memref<8x2048xf32, #tpu.memory_space<hbm>>
    %dma_start3A_558 = arith.constant 0 : i32
    %dma_start3A_559 = tpu.memref_slice %arg4[%add3A_555, %dma_start3A_558] : memref<8192x2048xf32, #tpu.memory_space<hbm>> -> memref<8x2048xf32, #tpu.memory_space<hbm>>
    tpu.enqueue_dma source(%arg10 : memref<8x2048xf32, #tpu.memory_space<vmem>>) target(%dma_start3A_559 : memref<8x2048xf32, #tpu.memory_space<hbm>>) target_semaphore(%arg24 : memref<!tpu.dma_semaphore, #tpu.memory_space<semaphore_mem>>)
    %dma_wait3A_560 = arith.constant 0 : i32
    %dma_wait3A_561 = tpu.memref_slice %arg4[%add3A_445, %dma_wait3A_560] : memref<8192x2048xf32, #tpu.memory_space<hbm>> -> memref<8x2048xf32, #tpu.memory_space<hbm>>
    %dma_wait3A_562 = arith.constant 0 : i32
    %dma_wait3A_563 = tpu.memref_slice %arg4[%add3A_445, %dma_wait3A_562] : memref<8192x2048xf32, #tpu.memory_space<hbm>> -> memref<8x2048xf32, #tpu.memory_space<hbm>>
    tpu.wait_dma2 semaphore(%arg26 : memref<!tpu.dma_semaphore, #tpu.memory_space<semaphore_mem>>) src(%arg12 : memref<8x2048xf32, #tpu.memory_space<vmem>>) dst(%dma_wait3A_563 : memref<8x2048xf32, #tpu.memory_space<hbm>>)
    %add3A_564 = arith.constant 216 : i32
    %add3A_565 = arith.addi %mul3A_2, %add3A_564 : i32
    %dma_start3A_566 = arith.constant 0 : i32
    %dma_start3A_567 = tpu.memref_slice %arg2[%add3A_565, %dma_start3A_566] : memref<8192x2048xf32, #tpu.memory_space<hbm>> -> memref<8x2048xf32, #tpu.memory_space<hbm>>
    %dma_start3A_568 = arith.constant 0 : i32
    %dma_start3A_569 = tpu.memref_slice %arg2[%add3A_565, %dma_start3A_568] : memref<8192x2048xf32, #tpu.memory_space<hbm>> -> memref<8x2048xf32, #tpu.memory_space<hbm>>
    tpu.enqueue_dma source(%dma_start3A_569 : memref<8x2048xf32, #tpu.memory_space<hbm>>) target(%arg12 : memref<8x2048xf32, #tpu.memory_space<vmem>>) target_semaphore(%arg19 : memref<!tpu.dma_semaphore, #tpu.memory_space<semaphore_mem>>)
    %dma_wait3A_570 = arith.constant 0 : i32
    %dma_wait3A_571 = tpu.memref_slice %arg2[%add3A_543, %dma_wait3A_570] : memref<8192x2048xf32, #tpu.memory_space<hbm>> -> memref<8x2048xf32, #tpu.memory_space<hbm>>
    %dma_wait3A_572 = arith.constant 0 : i32
    %dma_wait3A_573 = tpu.memref_slice %arg2[%add3A_543, %dma_wait3A_572] : memref<8192x2048xf32, #tpu.memory_space<hbm>> -> memref<8x2048xf32, #tpu.memory_space<hbm>>
    tpu.wait_dma2 semaphore(%arg18 : memref<!tpu.dma_semaphore, #tpu.memory_space<semaphore_mem>>) src(%dma_wait3A_573 : memref<8x2048xf32, #tpu.memory_space<hbm>>) dst(%arg11 : memref<8x2048xf32, #tpu.memory_space<vmem>>)
    %get3A_574 = arith.constant 208 : index
    %get3A_575 = tpu.vector_load %arg5[%get3A_574] {strides = array<i32>} : memref<272xi32, #tpu.memory_space<vmem>>, vector<16xi32>,
    tpu.vector_store_idx %arg11[%iota3A, %get3A_575], %broadcast_in_dim3A_49 masked %lt3A_47 : memref<8x2048xf32, #tpu.memory_space<vmem>>[vector<16xi32>, vector<16xi32>], vector<16xf32>, vector<16xi1>
    %add3A_576 = arith.constant 208 : i32
    %add3A_577 = arith.addi %mul3A_2, %add3A_576 : i32
    %dma_start3A_578 = arith.constant 0 : i32
    %dma_start3A_579 = tpu.memref_slice %arg4[%add3A_577, %dma_start3A_578] : memref<8192x2048xf32, #tpu.memory_space<hbm>> -> memref<8x2048xf32, #tpu.memory_space<hbm>>
    %dma_start3A_580 = arith.constant 0 : i32
    %dma_start3A_581 = tpu.memref_slice %arg4[%add3A_577, %dma_start3A_580] : memref<8192x2048xf32, #tpu.memory_space<hbm>> -> memref<8x2048xf32, #tpu.memory_space<hbm>>
    tpu.enqueue_dma source(%arg11 : memref<8x2048xf32, #tpu.memory_space<vmem>>) target(%dma_start3A_581 : memref<8x2048xf32, #tpu.memory_space<hbm>>) target_semaphore(%arg25 : memref<!tpu.dma_semaphore, #tpu.memory_space<semaphore_mem>>)
    %dma_wait3A_582 = arith.constant 0 : i32
    %dma_wait3A_583 = tpu.memref_slice %arg4[%add3A_467, %dma_wait3A_582] : memref<8192x2048xf32, #tpu.memory_space<hbm>> -> memref<8x2048xf32, #tpu.memory_space<hbm>>
    %dma_wait3A_584 = arith.constant 0 : i32
    %dma_wait3A_585 = tpu.memref_slice %arg4[%add3A_467, %dma_wait3A_584] : memref<8192x2048xf32, #tpu.memory_space<hbm>> -> memref<8x2048xf32, #tpu.memory_space<hbm>>
    tpu.wait_dma2 semaphore(%arg20 : memref<!tpu.dma_semaphore, #tpu.memory_space<semaphore_mem>>) src(%arg6 : memref<8x2048xf32, #tpu.memory_space<vmem>>) dst(%dma_wait3A_585 : memref<8x2048xf32, #tpu.memory_space<hbm>>)
    %add3A_586 = arith.constant 224 : i32
    %add3A_587 = arith.addi %mul3A_2, %add3A_586 : i32
    %dma_start3A_588 = arith.constant 0 : i32
    %dma_start3A_589 = tpu.memref_slice %arg2[%add3A_587, %dma_start3A_588] : memref<8192x2048xf32, #tpu.memory_space<hbm>> -> memref<8x2048xf32, #tpu.memory_space<hbm>>
    %dma_start3A_590 = arith.constant 0 : i32
    %dma_start3A_591 = tpu.memref_slice %arg2[%add3A_587, %dma_start3A_590] : memref<8192x2048xf32, #tpu.memory_space<hbm>> -> memref<8x2048xf32, #tpu.memory_space<hbm>>
    tpu.enqueue_dma source(%dma_start3A_591 : memref<8x2048xf32, #tpu.memory_space<hbm>>) target(%arg6 : memref<8x2048xf32, #tpu.memory_space<vmem>>) target_semaphore(%arg13 : memref<!tpu.dma_semaphore, #tpu.memory_space<semaphore_mem>>)
    %dma_wait3A_592 = arith.constant 0 : i32
    %dma_wait3A_593 = tpu.memref_slice %arg2[%add3A_565, %dma_wait3A_592] : memref<8192x2048xf32, #tpu.memory_space<hbm>> -> memref<8x2048xf32, #tpu.memory_space<hbm>>
    %dma_wait3A_594 = arith.constant 0 : i32
    %dma_wait3A_595 = tpu.memref_slice %arg2[%add3A_565, %dma_wait3A_594] : memref<8192x2048xf32, #tpu.memory_space<hbm>> -> memref<8x2048xf32, #tpu.memory_space<hbm>>
    tpu.wait_dma2 semaphore(%arg19 : memref<!tpu.dma_semaphore, #tpu.memory_space<semaphore_mem>>) src(%dma_wait3A_595 : memref<8x2048xf32, #tpu.memory_space<hbm>>) dst(%arg12 : memref<8x2048xf32, #tpu.memory_space<vmem>>)
    %get3A_596 = arith.constant 216 : index
    %get3A_597 = tpu.vector_load %arg5[%get3A_596] {strides = array<i32>} : memref<272xi32, #tpu.memory_space<vmem>>, vector<16xi32>,
    tpu.vector_store_idx %arg12[%iota3A, %get3A_597], %broadcast_in_dim3A_49 masked %lt3A_47 : memref<8x2048xf32, #tpu.memory_space<vmem>>[vector<16xi32>, vector<16xi32>], vector<16xf32>, vector<16xi1>
    %add3A_598 = arith.constant 216 : i32
    %add3A_599 = arith.addi %mul3A_2, %add3A_598 : i32
    %dma_start3A_600 = arith.constant 0 : i32
    %dma_start3A_601 = tpu.memref_slice %arg4[%add3A_599, %dma_start3A_600] : memref<8192x2048xf32, #tpu.memory_space<hbm>> -> memref<8x2048xf32, #tpu.memory_space<hbm>>
    %dma_start3A_602 = arith.constant 0 : i32
    %dma_start3A_603 = tpu.memref_slice %arg4[%add3A_599, %dma_start3A_602] : memref<8192x2048xf32, #tpu.memory_space<hbm>> -> memref<8x2048xf32, #tpu.memory_space<hbm>>
    tpu.enqueue_dma source(%arg12 : memref<8x2048xf32, #tpu.memory_space<vmem>>) target(%dma_start3A_603 : memref<8x2048xf32, #tpu.memory_space<hbm>>) target_semaphore(%arg26 : memref<!tpu.dma_semaphore, #tpu.memory_space<semaphore_mem>>)
    %dma_wait3A_604 = arith.constant 0 : i32
    %dma_wait3A_605 = tpu.memref_slice %arg4[%add3A_489, %dma_wait3A_604] : memref<8192x2048xf32, #tpu.memory_space<hbm>> -> memref<8x2048xf32, #tpu.memory_space<hbm>>
    %dma_wait3A_606 = arith.constant 0 : i32
    %dma_wait3A_607 = tpu.memref_slice %arg4[%add3A_489, %dma_wait3A_606] : memref<8192x2048xf32, #tpu.memory_space<hbm>> -> memref<8x2048xf32, #tpu.memory_space<hbm>>
    tpu.wait_dma2 semaphore(%arg21 : memref<!tpu.dma_semaphore, #tpu.memory_space<semaphore_mem>>) src(%arg7 : memref<8x2048xf32, #tpu.memory_space<vmem>>) dst(%dma_wait3A_607 : memref<8x2048xf32, #tpu.memory_space<hbm>>)
    %add3A_608 = arith.constant 232 : i32
    %add3A_609 = arith.addi %mul3A_2, %add3A_608 : i32
    %dma_start3A_610 = arith.constant 0 : i32
    %dma_start3A_611 = tpu.memref_slice %arg2[%add3A_609, %dma_start3A_610] : memref<8192x2048xf32, #tpu.memory_space<hbm>> -> memref<8x2048xf32, #tpu.memory_space<hbm>>
    %dma_start3A_612 = arith.constant 0 : i32
    %dma_start3A_613 = tpu.memref_slice %arg2[%add3A_609, %dma_start3A_612] : memref<8192x2048xf32, #tpu.memory_space<hbm>> -> memref<8x2048xf32, #tpu.memory_space<hbm>>
    tpu.enqueue_dma source(%dma_start3A_613 : memref<8x2048xf32, #tpu.memory_space<hbm>>) target(%arg7 : memref<8x2048xf32, #tpu.memory_space<vmem>>) target_semaphore(%arg14 : memref<!tpu.dma_semaphore, #tpu.memory_space<semaphore_mem>>)
    %dma_wait3A_614 = arith.constant 0 : i32
    %dma_wait3A_615 = tpu.memref_slice %arg2[%add3A_587, %dma_wait3A_614] : memref<8192x2048xf32, #tpu.memory_space<hbm>> -> memref<8x2048xf32, #tpu.memory_space<hbm>>
    %dma_wait3A_616 = arith.constant 0 : i32
    %dma_wait3A_617 = tpu.memref_slice %arg2[%add3A_587, %dma_wait3A_616] : memref<8192x2048xf32, #tpu.memory_space<hbm>> -> memref<8x2048xf32, #tpu.memory_space<hbm>>
    tpu.wait_dma2 semaphore(%arg13 : memref<!tpu.dma_semaphore, #tpu.memory_space<semaphore_mem>>) src(%dma_wait3A_617 : memref<8x2048xf32, #tpu.memory_space<hbm>>) dst(%arg6 : memref<8x2048xf32, #tpu.memory_space<vmem>>)
    %get3A_618 = arith.constant 224 : index
    %get3A_619 = tpu.vector_load %arg5[%get3A_618] {strides = array<i32>} : memref<272xi32, #tpu.memory_space<vmem>>, vector<16xi32>,
    tpu.vector_store_idx %arg6[%iota3A, %get3A_619], %broadcast_in_dim3A_49 masked %lt3A_47 : memref<8x2048xf32, #tpu.memory_space<vmem>>[vector<16xi32>, vector<16xi32>], vector<16xf32>, vector<16xi1>
    %add3A_620 = arith.constant 224 : i32
    %add3A_621 = arith.addi %mul3A_2, %add3A_620 : i32
    %dma_start3A_622 = arith.constant 0 : i32
    %dma_start3A_623 = tpu.memref_slice %arg4[%add3A_621, %dma_start3A_622] : memref<8192x2048xf32, #tpu.memory_space<hbm>> -> memref<8x2048xf32, #tpu.memory_space<hbm>>
    %dma_start3A_624 = arith.constant 0 : i32
    %dma_start3A_625 = tpu.memref_slice %arg4[%add3A_621, %dma_start3A_624] : memref<8192x2048xf32, #tpu.memory_space<hbm>> -> memref<8x2048xf32, #tpu.memory_space<hbm>>
    tpu.enqueue_dma source(%arg6 : memref<8x2048xf32, #tpu.memory_space<vmem>>) target(%dma_start3A_625 : memref<8x2048xf32, #tpu.memory_space<hbm>>) target_semaphore(%arg20 : memref<!tpu.dma_semaphore, #tpu.memory_space<semaphore_mem>>)
    %dma_wait3A_626 = arith.constant 0 : i32
    %dma_wait3A_627 = tpu.memref_slice %arg4[%add3A_511, %dma_wait3A_626] : memref<8192x2048xf32, #tpu.memory_space<hbm>> -> memref<8x2048xf32, #tpu.memory_space<hbm>>
    %dma_wait3A_628 = arith.constant 0 : i32
    %dma_wait3A_629 = tpu.memref_slice %arg4[%add3A_511, %dma_wait3A_628] : memref<8192x2048xf32, #tpu.memory_space<hbm>> -> memref<8x2048xf32, #tpu.memory_space<hbm>>
    tpu.wait_dma2 semaphore(%arg22 : memref<!tpu.dma_semaphore, #tpu.memory_space<semaphore_mem>>) src(%arg8 : memref<8x2048xf32, #tpu.memory_space<vmem>>) dst(%dma_wait3A_629 : memref<8x2048xf32, #tpu.memory_space<hbm>>)
    %add3A_630 = arith.constant 240 : i32
    %add3A_631 = arith.addi %mul3A_2, %add3A_630 : i32
    %dma_start3A_632 = arith.constant 0 : i32
    %dma_start3A_633 = tpu.memref_slice %arg2[%add3A_631, %dma_start3A_632] : memref<8192x2048xf32, #tpu.memory_space<hbm>> -> memref<8x2048xf32, #tpu.memory_space<hbm>>
    %dma_start3A_634 = arith.constant 0 : i32
    %dma_start3A_635 = tpu.memref_slice %arg2[%add3A_631, %dma_start3A_634] : memref<8192x2048xf32, #tpu.memory_space<hbm>> -> memref<8x2048xf32, #tpu.memory_space<hbm>>
    tpu.enqueue_dma source(%dma_start3A_635 : memref<8x2048xf32, #tpu.memory_space<hbm>>) target(%arg8 : memref<8x2048xf32, #tpu.memory_space<vmem>>) target_semaphore(%arg15 : memref<!tpu.dma_semaphore, #tpu.memory_space<semaphore_mem>>)
    %dma_wait3A_636 = arith.constant 0 : i32
    %dma_wait3A_637 = tpu.memref_slice %arg2[%add3A_609, %dma_wait3A_636] : memref<8192x2048xf32, #tpu.memory_space<hbm>> -> memref<8x2048xf32, #tpu.memory_space<hbm>>
    %dma_wait3A_638 = arith.constant 0 : i32
    %dma_wait3A_639 = tpu.memref_slice %arg2[%add3A_609, %dma_wait3A_638] : memref<8192x2048xf32, #tpu.memory_space<hbm>> -> memref<8x2048xf32, #tpu.memory_space<hbm>>
    tpu.wait_dma2 semaphore(%arg14 : memref<!tpu.dma_semaphore, #tpu.memory_space<semaphore_mem>>) src(%dma_wait3A_639 : memref<8x2048xf32, #tpu.memory_space<hbm>>) dst(%arg7 : memref<8x2048xf32, #tpu.memory_space<vmem>>)
    %get3A_640 = arith.constant 232 : index
    %get3A_641 = tpu.vector_load %arg5[%get3A_640] {strides = array<i32>} : memref<272xi32, #tpu.memory_space<vmem>>, vector<16xi32>,
    tpu.vector_store_idx %arg7[%iota3A, %get3A_641], %broadcast_in_dim3A_49 masked %lt3A_47 : memref<8x2048xf32, #tpu.memory_space<vmem>>[vector<16xi32>, vector<16xi32>], vector<16xf32>, vector<16xi1>
    %add3A_642 = arith.constant 232 : i32
    %add3A_643 = arith.addi %mul3A_2, %add3A_642 : i32
    %dma_start3A_644 = arith.constant 0 : i32
    %dma_start3A_645 = tpu.memref_slice %arg4[%add3A_643, %dma_start3A_644] : memref<8192x2048xf32, #tpu.memory_space<hbm>> -> memref<8x2048xf32, #tpu.memory_space<hbm>>
    %dma_start3A_646 = arith.constant 0 : i32
    %dma_start3A_647 = tpu.memref_slice %arg4[%add3A_643, %dma_start3A_646] : memref<8192x2048xf32, #tpu.memory_space<hbm>> -> memref<8x2048xf32, #tpu.memory_space<hbm>>
    tpu.enqueue_dma source(%arg7 : memref<8x2048xf32, #tpu.memory_space<vmem>>) target(%dma_start3A_647 : memref<8x2048xf32, #tpu.memory_space<hbm>>) target_semaphore(%arg21 : memref<!tpu.dma_semaphore, #tpu.memory_space<semaphore_mem>>)
    %dma_wait3A_648 = arith.constant 0 : i32
    %dma_wait3A_649 = tpu.memref_slice %arg4[%add3A_533, %dma_wait3A_648] : memref<8192x2048xf32, #tpu.memory_space<hbm>> -> memref<8x2048xf32, #tpu.memory_space<hbm>>
    %dma_wait3A_650 = arith.constant 0 : i32
    %dma_wait3A_651 = tpu.memref_slice %arg4[%add3A_533, %dma_wait3A_650] : memref<8192x2048xf32, #tpu.memory_space<hbm>> -> memref<8x2048xf32, #tpu.memory_space<hbm>>
    tpu.wait_dma2 semaphore(%arg23 : memref<!tpu.dma_semaphore, #tpu.memory_space<semaphore_mem>>) src(%arg9 : memref<8x2048xf32, #tpu.memory_space<vmem>>) dst(%dma_wait3A_651 : memref<8x2048xf32, #tpu.memory_space<hbm>>)
    %add3A_652 = arith.constant 248 : i32
    %add3A_653 = arith.addi %mul3A_2, %add3A_652 : i32
    %dma_start3A_654 = arith.constant 0 : i32
    %dma_start3A_655 = tpu.memref_slice %arg2[%add3A_653, %dma_start3A_654] : memref<8192x2048xf32, #tpu.memory_space<hbm>> -> memref<8x2048xf32, #tpu.memory_space<hbm>>
    %dma_start3A_656 = arith.constant 0 : i32
    %dma_start3A_657 = tpu.memref_slice %arg2[%add3A_653, %dma_start3A_656] : memref<8192x2048xf32, #tpu.memory_space<hbm>> -> memref<8x2048xf32, #tpu.memory_space<hbm>>
    tpu.enqueue_dma source(%dma_start3A_657 : memref<8x2048xf32, #tpu.memory_space<hbm>>) target(%arg9 : memref<8x2048xf32, #tpu.memory_space<vmem>>) target_semaphore(%arg16 : memref<!tpu.dma_semaphore, #tpu.memory_space<semaphore_mem>>)
    %dma_wait3A_658 = arith.constant 0 : i32
    %dma_wait3A_659 = tpu.memref_slice %arg2[%add3A_631, %dma_wait3A_658] : memref<8192x2048xf32, #tpu.memory_space<hbm>> -> memref<8x2048xf32, #tpu.memory_space<hbm>>
    %dma_wait3A_660 = arith.constant 0 : i32
    %dma_wait3A_661 = tpu.memref_slice %arg2[%add3A_631, %dma_wait3A_660] : memref<8192x2048xf32, #tpu.memory_space<hbm>> -> memref<8x2048xf32, #tpu.memory_space<hbm>>
    tpu.wait_dma2 semaphore(%arg15 : memref<!tpu.dma_semaphore, #tpu.memory_space<semaphore_mem>>) src(%dma_wait3A_661 : memref<8x2048xf32, #tpu.memory_space<hbm>>) dst(%arg8 : memref<8x2048xf32, #tpu.memory_space<vmem>>)
    %get3A_662 = arith.constant 240 : index
    %get3A_663 = tpu.vector_load %arg5[%get3A_662] {strides = array<i32>} : memref<272xi32, #tpu.memory_space<vmem>>, vector<16xi32>,
    tpu.vector_store_idx %arg8[%iota3A, %get3A_663], %broadcast_in_dim3A_49 masked %lt3A_47 : memref<8x2048xf32, #tpu.memory_space<vmem>>[vector<16xi32>, vector<16xi32>], vector<16xf32>, vector<16xi1>
    %add3A_664 = arith.constant 240 : i32
    %add3A_665 = arith.addi %mul3A_2, %add3A_664 : i32
    %dma_start3A_666 = arith.constant 0 : i32
    %dma_start3A_667 = tpu.memref_slice %arg4[%add3A_665, %dma_start3A_666] : memref<8192x2048xf32, #tpu.memory_space<hbm>> -> memref<8x2048xf32, #tpu.memory_space<hbm>>
    %dma_start3A_668 = arith.constant 0 : i32
    %dma_start3A_669 = tpu.memref_slice %arg4[%add3A_665, %dma_start3A_668] : memref<8192x2048xf32, #tpu.memory_space<hbm>> -> memref<8x2048xf32, #tpu.memory_space<hbm>>
    tpu.enqueue_dma source(%arg8 : memref<8x2048xf32, #tpu.memory_space<vmem>>) target(%dma_start3A_669 : memref<8x2048xf32, #tpu.memory_space<hbm>>) target_semaphore(%arg22 : memref<!tpu.dma_semaphore, #tpu.memory_space<semaphore_mem>>)
    %dma_wait3A_670 = arith.constant 0 : i32
    %dma_wait3A_671 = tpu.memref_slice %arg2[%add3A_653, %dma_wait3A_670] : memref<8192x2048xf32, #tpu.memory_space<hbm>> -> memref<8x2048xf32, #tpu.memory_space<hbm>>
    %dma_wait3A_672 = arith.constant 0 : i32
    %dma_wait3A_673 = tpu.memref_slice %arg2[%add3A_653, %dma_wait3A_672] : memref<8192x2048xf32, #tpu.memory_space<hbm>> -> memref<8x2048xf32, #tpu.memory_space<hbm>>
    tpu.wait_dma2 semaphore(%arg16 : memref<!tpu.dma_semaphore, #tpu.memory_space<semaphore_mem>>) src(%dma_wait3A_673 : memref<8x2048xf32, #tpu.memory_space<hbm>>) dst(%arg9 : memref<8x2048xf32, #tpu.memory_space<vmem>>)
    %get3A_674 = arith.constant 248 : index
    %get3A_675 = tpu.vector_load %arg5[%get3A_674] {strides = array<i32>} : memref<272xi32, #tpu.memory_space<vmem>>, vector<16xi32>,
    tpu.vector_store_idx %arg9[%iota3A, %get3A_675], %broadcast_in_dim3A_49 masked %lt3A_47 : memref<8x2048xf32, #tpu.memory_space<vmem>>[vector<16xi32>, vector<16xi32>], vector<16xf32>, vector<16xi1>
    %add3A_676 = arith.constant 248 : i32
    %add3A_677 = arith.addi %mul3A_2, %add3A_676 : i32
    %dma_start3A_678 = arith.constant 0 : i32
    %dma_start3A_679 = tpu.memref_slice %arg4[%add3A_677, %dma_start3A_678] : memref<8192x2048xf32, #tpu.memory_space<hbm>> -> memref<8x2048xf32, #tpu.memory_space<hbm>>
    %dma_start3A_680 = arith.constant 0 : i32
    %dma_start3A_681 = tpu.memref_slice %arg4[%add3A_677, %dma_start3A_680] : memref<8192x2048xf32, #tpu.memory_space<hbm>> -> memref<8x2048xf32, #tpu.memory_space<hbm>>
    tpu.enqueue_dma source(%arg9 : memref<8x2048xf32, #tpu.memory_space<vmem>>) target(%dma_start3A_681 : memref<8x2048xf32, #tpu.memory_space<hbm>>) target_semaphore(%arg23 : memref<!tpu.dma_semaphore, #tpu.memory_space<semaphore_mem>>)
    %dma_wait3A_682 = arith.constant 0 : i32
    %dma_wait3A_683 = tpu.memref_slice %arg4[%add3A_677, %dma_wait3A_682] : memref<8192x2048xf32, #tpu.memory_space<hbm>> -> memref<8x2048xf32, #tpu.memory_space<hbm>>
    %dma_wait3A_684 = arith.constant 0 : i32
    %dma_wait3A_685 = tpu.memref_slice %arg4[%add3A_677, %dma_wait3A_684] : memref<8192x2048xf32, #tpu.memory_space<hbm>> -> memref<8x2048xf32, #tpu.memory_space<hbm>>
    tpu.wait_dma2 semaphore(%arg23 : memref<!tpu.dma_semaphore, #tpu.memory_space<semaphore_mem>>) src(%arg9 : memref<8x2048xf32, #tpu.memory_space<vmem>>) dst(%dma_wait3A_685 : memref<8x2048xf32, #tpu.memory_space<hbm>>)
    %dma_wait3A_686 = arith.constant 0 : i32
    %dma_wait3A_687 = tpu.memref_slice %arg4[%add3A_665, %dma_wait3A_686] : memref<8192x2048xf32, #tpu.memory_space<hbm>> -> memref<8x2048xf32, #tpu.memory_space<hbm>>
    %dma_wait3A_688 = arith.constant 0 : i32
    %dma_wait3A_689 = tpu.memref_slice %arg4[%add3A_665, %dma_wait3A_688] : memref<8192x2048xf32, #tpu.memory_space<hbm>> -> memref<8x2048xf32, #tpu.memory_space<hbm>>
    tpu.wait_dma2 semaphore(%arg22 : memref<!tpu.dma_semaphore, #tpu.memory_space<semaphore_mem>>) src(%arg8 : memref<8x2048xf32, #tpu.memory_space<vmem>>) dst(%dma_wait3A_689 : memref<8x2048xf32, #tpu.memory_space<hbm>>)
    %dma_wait3A_690 = arith.constant 0 : i32
    %dma_wait3A_691 = tpu.memref_slice %arg4[%add3A_643, %dma_wait3A_690] : memref<8192x2048xf32, #tpu.memory_space<hbm>> -> memref<8x2048xf32, #tpu.memory_space<hbm>>
    %dma_wait3A_692 = arith.constant 0 : i32
    %dma_wait3A_693 = tpu.memref_slice %arg4[%add3A_643, %dma_wait3A_692] : memref<8192x2048xf32, #tpu.memory_space<hbm>> -> memref<8x2048xf32, #tpu.memory_space<hbm>>
    tpu.wait_dma2 semaphore(%arg21 : memref<!tpu.dma_semaphore, #tpu.memory_space<semaphore_mem>>) src(%arg7 : memref<8x2048xf32, #tpu.memory_space<vmem>>) dst(%dma_wait3A_693 : memref<8x2048xf32, #tpu.memory_space<hbm>>)
    %dma_wait3A_694 = arith.constant 0 : i32
    %dma_wait3A_695 = tpu.memref_slice %arg4[%add3A_621, %dma_wait3A_694] : memref<8192x2048xf32, #tpu.memory_space<hbm>> -> memref<8x2048xf32, #tpu.memory_space<hbm>>
    %dma_wait3A_696 = arith.constant 0 : i32
    %dma_wait3A_697 = tpu.memref_slice %arg4[%add3A_621, %dma_wait3A_696] : memref<8192x2048xf32, #tpu.memory_space<hbm>> -> memref<8x2048xf32, #tpu.memory_space<hbm>>
    tpu.wait_dma2 semaphore(%arg20 : memref<!tpu.dma_semaphore, #tpu.memory_space<semaphore_mem>>) src(%arg6 : memref<8x2048xf32, #tpu.memory_space<vmem>>) dst(%dma_wait3A_697 : memref<8x2048xf32, #tpu.memory_space<hbm>>)
    %dma_wait3A_698 = arith.constant 0 : i32
    %dma_wait3A_699 = tpu.memref_slice %arg4[%add3A_599, %dma_wait3A_698] : memref<8192x2048xf32, #tpu.memory_space<hbm>> -> memref<8x2048xf32, #tpu.memory_space<hbm>>
    %dma_wait3A_700 = arith.constant 0 : i32
    %dma_wait3A_701 = tpu.memref_slice %arg4[%add3A_599, %dma_wait3A_700] : memref<8192x2048xf32, #tpu.memory_space<hbm>> -> memref<8x2048xf32, #tpu.memory_space<hbm>>
    tpu.wait_dma2 semaphore(%arg26 : memref<!tpu.dma_semaphore, #tpu.memory_space<semaphore_mem>>) src(%arg12 : memref<8x2048xf32, #tpu.memory_space<vmem>>) dst(%dma_wait3A_701 : memref<8x2048xf32, #tpu.memory_space<hbm>>)
    %dma_wait3A_702 = arith.constant 0 : i32
    %dma_wait3A_703 = tpu.memref_slice %arg4[%add3A_577, %dma_wait3A_702] : memref<8192x2048xf32, #tpu.memory_space<hbm>> -> memref<8x2048xf32, #tpu.memory_space<hbm>>
    %dma_wait3A_704 = arith.constant 0 : i32
    %dma_wait3A_705 = tpu.memref_slice %arg4[%add3A_577, %dma_wait3A_704] : memref<8192x2048xf32, #tpu.memory_space<hbm>> -> memref<8x2048xf32, #tpu.memory_space<hbm>>
    tpu.wait_dma2 semaphore(%arg25 : memref<!tpu.dma_semaphore, #tpu.memory_space<semaphore_mem>>) src(%arg11 : memref<8x2048xf32, #tpu.memory_space<vmem>>) dst(%dma_wait3A_705 : memref<8x2048xf32, #tpu.memory_space<hbm>>)
    %dma_wait3A_706 = arith.constant 0 : i32
    %dma_wait3A_707 = tpu.memref_slice %arg4[%add3A_555, %dma_wait3A_706] : memref<8192x2048xf32, #tpu.memory_space<hbm>> -> memref<8x2048xf32, #tpu.memory_space<hbm>>
    %dma_wait3A_708 = arith.constant 0 : i32
    %dma_wait3A_709 = tpu.memref_slice %arg4[%add3A_555, %dma_wait3A_708] : memref<8192x2048xf32, #tpu.memory_space<hbm>> -> memref<8x2048xf32, #tpu.memory_space<hbm>>
    tpu.wait_dma2 semaphore(%arg24 : memref<!tpu.dma_semaphore, #tpu.memory_space<semaphore_mem>>) src(%arg10 : memref<8x2048xf32, #tpu.memory_space<vmem>>) dst(%dma_wait3A_709 : memref<8x2048xf32, #tpu.memory_space<hbm>>)
    return
  }
}

</mosaic_0001>

<sc_bundles>
// kernel: kernel.3.cloned.1.call-start
scs
__scs_entry_jumppad:
0x0: {  	(pc) =	sbr.rel $0x88, $3  }
0x1: {  	(tag) =	ssettag $0x0;
	lr =	simm.s32 $0x1  }
0x2: {  	[smem:$0x3F9F] =	sst lr;
	_ =	strace $0xD0000000  }
0x3: {  	_ = 	snop  }
0x4: {  	_ = 	snop  }
0x5: {  	_ = 	snop  }
0x6: {  	_ = 	snop  }
0x7: {  	_ = 	snop  }
__scs_overlays_trampoline_lowered:
0x8: {  	[smem:$0x3FAE] =	sst s0  }
0x9: {  	[smem:$0x3FAF] =	sst s1  }
0xa: {  	[smem:$0x3FB0] =	sst s2  }
0xb: {  	[smem:$0x3FB1] =	sst s3  }
0xc: {  	[smem:$0x3FB2] =	sst s4  }
0xd: {  	[smem:$0x3FB3] =	sst s5  }
0xe: {  	[smem:$0x3FB4] =	sst s6  }
0xf: {  	[smem:$0x3FB5] =	sst s7  }
0x10: {  	[smem:$0x3FB6] =	sst s8  }
0x11: {  	[smem:$0x3FB7] =	sst s9;
	s0 =	simm.s32 @!p0 $0x0  }
0x12: {  	s1 =	sld [smem:$0x3F9D];
	s0 =	simm.s32 @p0 $0x1  }
0x13: {  	[smem:$0x3FB8] =	sst s0;
	s0 =	simm.s32 @!p1 $0x0  }
0x14: {  	s2 =	sld [smem:$0x3F9C];
	s0 =	simm.s32 @p1 $0x1  }
0x15: {  	[smem:$0x3FB9] =	sst s0;
	s0 =	simm.s32 @!p2 $0x0  }
0x16: {  	s3 =	sld [smem:$0x3FDB];
	s0 =	simm.s32 @p2 $0x1  }
0x17: {  	s4 =	simm.s32 $0x1BF5;
	[smem:$0x3FBB] =	sst s0  }
0x18: {  	s0 =	sld [smem:$0x3F9E];
	_ =	swait.ge [sflag:s4], $0x0  }
0x19: {  	s7 =	sld [smem:$0x3F9F]  }
0x1a: {  	s8 =	sadd.s32 $0xFFFFE003, lr  }
0x1b: {  	s9 =	sadd.s32 $0xFFFFFEF7, lr;
	s5 =	simm.s32 $0xFFFFFFFF;
	p2 =	slt.u32 s8, $0xFFFFF086  }
0x1c: {  	p1 =	slt.u32 s9, $0xF7A;
	s5 =	simm.s32 @!p2 $0x0  }
0x1d: {  	s5 =	simm.s32 @p1 $0x1;
	p0 =	seq.s32 s7, s2  }
0x1e: {  	s7 =	smul.u32 @!p0 $0xF7A, s2;
	p2 =	seq.s32 @!p0 s5, $0x0  }
0x1f: {  	s9 =	smul.u32 $0xF7A, s1;
	s8 =	simm.s32 @!p0 $0x1BF5;
	p2 =	por !p2, p0  }
0x20: {  	[sflag:s8] =	ssyncset.s32 @!p0 $0xFFFFF086;
	s6 =	sadd.s32 @!p0 s3, s7;
	s7 =	simm.s32 @!p0 $0x108  }
0x21: {  	s3 =	sadd.s32 s3, s9;
	s6 =	sadd.s32 @!p0 $0x88, s6;
	s7 =	simm.s32 @p2 $0x1082  }
0x22: {  	[simem:s7], [sflag:s8] =	dma.local @!p0 [hbm:s6], $0xF7A  }
0x23: {  	s9 =	sor.u32 $0xD0000000, s2;
	s6 =	simm.s32 $0x108;
	_ =	swait.ge @!p0 [sflag:s8], $0x0  }
0x24: {  	s3 =	sadd.s32 $0x88, s3;
	s6 =	simm.s32 @!p1 $0x1082;
	[sflag:s4] =	ssyncset.s32 $0xFFFFF086  }
0x25: {  	[simem:s6], [sflag:s4] =	dma.local [hbm:s3], $0xF7A  }
0x26: {  	[smem:$0x3F9F] =	sst s1;
	(tag) =	ssettag s2;
	_ =	strace s9  }
0x27: {  	s1 =	sld [smem:$0x3FAF]  }
0x28: {  	s2 =	sld [smem:$0x3FB0]  }
0x29: {  	s4 =	sld [smem:$0x3FB2]  }
0x2a: {  	p0 =	seq.s32 s5, $0x0;
	s5 =	sld [smem:$0x3FB3]  }
0x2b: {  	s6 =	sld [smem:$0x3FB4]  }
0x2c: {  	s7 =	sld [smem:$0x3FB5]  }
0x2d: {  	s3 =	simm.s32 $0x108;
	s8 =	sld [smem:$0x3FB6]  }
0x2e: {  	s3 =	simm.s32 @!p0 $0x1082;
	s9 =	sld [smem:$0x3FB7]  }
0x2f: {  	lr =	sadd.s32 s0, s3;
	s0 =	sld [smem:$0x3FAE]  }
0x30: {  	s3 =	sld [smem:$0x3FB1]  }
0x31: {  	[smem:$0x3FBA] =	sst s10  }
0x32: {  	s10 =	sld [smem:$0x3FB8];
	_ =	sdelay $0x3  }
0x33: {  	p0 =	seq.s32 s10, $0x1;
	s10 =	sld [smem:$0x3FBA];
	_ =	sdelay $0x3  }
0x34: {  	[smem:$0x3FBA] =	sst s10  }
0x35: {  	s10 =	sld [smem:$0x3FB9];
	_ =	sdelay $0x3  }
0x36: {  	p1 =	seq.s32 s10, $0x1;
	s10 =	sld [smem:$0x3FBA];
	_ =	sdelay $0x3  }
0x37: {  	[smem:$0x3FBA] =	sst s10  }
0x38: {  	s10 =	sld [smem:$0x3FBB]  }
0x39: {  	_ = 	snop;
	(pc) =	sbr.ind lr, $3  }
0x3a: {  	_ = 	snop  }
0x3b: {  	_ = 	snop  }
0x3c: {  	p2 =	seq.s32 s10, $0x1;
	s10 =	sld [smem:$0x3FBA]  }
0x3d: {  	_ =	shalt  }
0x3e: {  	_ =	shalt  }
0x3f: {  	_ =	shalt  }
0x40: {  	_ =	shalt  }
0x41: {  	_ =	shalt  }
0x42: {  	_ =	shalt  }
0x43: {  	_ =	shalt  }
0x44: {  	_ =	shalt  }
0x45: {  	_ =	shalt  }
0x46: {  	_ =	shalt  }
0x47: {  	_ =	shalt  }
0x48: {  	_ =	shalt  }
0x49: {  	_ =	shalt  }
0x4a: {  	_ =	shalt  }
0x4b: {  	_ =	shalt  }
0x4c: {  	_ =	shalt  }
0x4d: {  	_ =	shalt  }
0x4e: {  	_ =	shalt  }
0x4f: {  	_ =	shalt  }
0x50: {  	_ =	shalt  }
0x51: {  	_ =	shalt  }
0x52: {  	_ =	shalt  }
0x53: {  	_ =	shalt  }
0x54: {  	_ =	shalt  }
0x55: {  	_ =	shalt  }
0x56: {  	_ =	shalt  }
0x57: {  	_ =	shalt  }
0x58: {  	_ =	shalt  }
0x59: {  	_ =	shalt  }
0x5a: {  	_ =	shalt  }
0x5b: {  	_ =	shalt  }
0x5c: {  	_ =	shalt  }
0x5d: {  	_ =	shalt  }
0x5e: {  	_ =	shalt  }
0x5f: {  	_ =	shalt  }
0x60: {  	_ =	shalt  }
0x61: {  	_ =	shalt  }
0x62: {  	_ =	shalt  }
0x63: {  	_ =	shalt  }
0x64: {  	_ =	shalt  }
0x65: {  	_ =	shalt  }
0x66: {  	_ =	shalt  }
0x67: {  	_ =	shalt  }
0x68: {  	_ =	shalt  }
0x69: {  	_ =	shalt  }
0x6a: {  	_ =	shalt  }
0x6b: {  	_ =	shalt  }
0x6c: {  	_ =	shalt  }
0x6d: {  	_ =	shalt  }
0x6e: {  	_ =	shalt  }
0x6f: {  	_ =	shalt  }
0x70: {  	_ =	shalt  }
0x71: {  	_ =	shalt  }
0x72: {  	_ =	shalt  }
0x73: {  	_ =	shalt  }
0x74: {  	_ =	shalt  }
0x75: {  	_ =	shalt  }
0x76: {  	_ =	shalt  }
0x77: {  	_ =	shalt  }
0x78: {  	_ =	shalt  }
0x79: {  	_ =	shalt  }
0x7a: {  	_ =	shalt  }
0x7b: {  	_ =	shalt  }
0x7c: {  	_ =	shalt  }
0x7d: {  	_ =	shalt  }
0x7e: {  	_ =	shalt  }
0x7f: {  	_ =	shalt  }
0x80: {  	_ =	shalt  }
0x81: {  	_ =	shalt  }
0x82: {  	_ =	shalt  }
0x83: {  	_ =	shalt  }
0x84: {  	_ =	shalt  }
0x85: {  	_ =	shalt  }
0x86: {  	_ =	shalt  }
0x87: {  	_ =	shalt  }
.Lfunc_end0:
.L_simem_size_0:
called_computation_lowered:
.L_overlay_start_0:
0x88: {  	s2 =	sld [smem:$0x3FD9]  }
0x89: {  	s3 =	sld [smem:$0x3FFE];
	_ =	sdelay $0x1  }
0x8a: {  	s1 =	srdreg.scid  }
0x8b: {  	s0 =	sand.u32 $0x1, s1  }
0x8c: {  	s18 =	sshll.u32 s0, $0xA;
	s2 =	sadd.s32 s3, s2  }
0x8d: {  	s2 =	sadd.s32 s2, s18  }
0x8e: {  	[smem:$0x3FC6] =	sst s2  }
0x8f: {  	_ = 	snop  }
0x90: {  	s2 =	sld [smem:$0x3FC9]  }
0x91: {  	s19 =	sld [smem:$0x3FC8]  }
0x92: {  	s4 =	sld [smem:$0x3FD0];
	(tm) =	ssettm $0x1  }
0x93: {  	s5 =	sld [smem:$0x3FFB];
	_ =	sdelay $0x3  }
0x94: {  	_ =	strace s5  }
0x95: {  	s5 =	sld [smem:$0x3FFC];
	_ =	sdelay $0x3  }
0x96: {  	_ =	strace s5  }
0x97: {  	s5 =	sld [smem:$0x3FFD];
	_ =	sdelay $0x3  }
0x98: {  	_ =	strace s5  }
0x99: {  	_ =	strace $0x8FFFFFFF  }
0x9a: {  	s20 =	sld [smem:$0x3FDB];
	_ =	sdelay $0x1  }
0x9b: {  	s6 =	simm.s32 $_scs_section_size  }
0x9c: {  	s7 =	simm.s32 $_size__tile_overlayer_lowered;
	s8 =	simm.s32 $_tile_overlayer_lowered  }
0x9d: {  	s23 =	simm.s32 $0x1BFF;
	s22 =	sshll.u32 s8, $0x1;
	s5 =	sadd.s32 s6, s20  }
0x9e: {  	s9 =	simm.s32 $0x0;
	s21 =	sshll.u32 s7, $0x1;
	s7 =	sadd.s32 s22, s5  }
0x9f: {  	[timem:s9], [sflag:s23] =	dma.local [hbm:s7], s21  }
0xa0: {  	_ =	swait.ge [sflag:s23], s21  }
0xa1: {  	s6 =	ssub.s32 $0x0, s21;
	[sflag:s23] =	ssyncset.done $0x0  }
0xa2: {  	[sflag:s23] =	ssyncadd.s32 s6;
	_ =	sdelay $0x1  }
0xa3: {  	s24 =	simm.s32 $0x1B8B  }
0xa4: {  	_ =	swait.ge [sflag:s24], $0x1  }
0xa5: {  	[sflag:s24] =	ssyncset.done $0x0  }
0xa6: {  	s25 =	simm.s32 $0x1B8E;
	[sflag:s24] =	ssyncadd.s32 $0xFFFFFFFF  }
0xa7: {  	s26 =	simm.s32 $execute0_lowered;
	[smem:$0x3FD2] =	sst s25  }
0xa8: {  	s6 =	sshll.u32 s26, $0x1;
	_ =	strace $0x80000046;
	[dreg:$0x1] =	wrdreg $0xFFFFFFFF  }
0xa9: {  	s28 =	simm.s32 $_size_execute0_lowered;
	s5 =	sadd.s32 s5, s6;
	[dreg:$0x0] =	wrdreg $0x0  }
0xaa: {  	s6 =	sshll.u32 s28, $0x1;
	[dreg:$0x2] =	wrdreg s5  }
0xab: {  	[dreg:$0x3] =	wrdreg s6  }
0xac: {  	[dreg:$0x4] =	wrdreg $0xC0  }
0xad: {  	_ =	task [dreg:s9], $0x5FFFF  }
0xae: {  	[dreg:$0x1] =	wrdreg $0xFFFFFFFF  }
0xaf: {  	[dreg:$0x0] =	wrdreg $0x60  }
0xb0: {  	[dreg:$0x2] =	wrdreg s2  }
0xb1: {  	[dreg:$0x3] =	wrdreg s19  }
0xb2: {  	[dreg:$0x4] =	wrdreg s4  }
0xb3: {  	[dreg:$0x5] =	wrdreg $0x9  }
0xb4: {  	_ =	task.clear_ibuf [dreg:s9], $0x6FFFF;
	_ =	strace $0x90000046  }
0xb5: {  	s29 =	simm.s32 $0x9;
	_ =	strace $0x80000048  }
0xb6: {  	_ =	swait.ge [sflag:s29], $0x1  }
0xb7: {  	[sflag:s29] =	ssyncadd.s32 $0xFFFFFFFF  }
0xb8: {  	_ =	strace $0x90000048  }
0xb9: {  	_ =	sfence  }
0xba: {  	s30 =	sld [smem:$0x0];
	_ =	sdelay $0x2  }
0xbb: {  	s31 =	sshll.u32 s1, $0xD;
	s1 =	sshrl.u32 s1, $0x2  }
0xbc: {  	s3 =	sand.u32 $0x4000, s31;
	s1 =	sadd.s32 s1, s30  }
0xbd: {  	s0 =	sor.u32 s3, s0;
	s1 =	sshll.u32 s1, $0x11  }
0xbe: {  	s0 =	sor.u32 s1, s0  }
0xbf: {  	s0 =	sadd.s32 $0x8F2B, s0  }
0xc0: {  	[sflag:s0] =	ssyncadd.remote.s32 $0x1  }
0xc1: {  	_ =	sfence.sel $0xFFFF  }
0xc2: {  	[dreg:$0x0] =	wrdreg $0xFFFFFFFF;
	(pc) =	sbr.abs _section_cstart, $3  }
0xc3: {  	[dreg:$0x1] =	wrdreg $0xFFFFFFFF  }
0xc4: {  	_ =	task.clear_ibuf [dreg:s9], $0x2FFFF;
	_ =	strace $0x9FFFFFFF  }
0xc5: {  	(tm) =	ssettm $0x7FFFFFFF  }
tec
execute0_lowered:
.L_overlay_start_1:
0x0: {  	(tag) =	ssettag $0x1  }
0x1: {  	s2 =	srdreg.scid  }
0x2: {  	s0 =	stileid.u32;
	s3 =	sand.u32 $0x1, s2  }
0x3: {  	s1 =	rddreg [dreg:$0x0];
	s5 =	sshll.u32 s0, $0x9;
	s6 =	sshll.u32 s3, $0x8  }
0x4: {  	s4 =	rddreg [dreg:$0x1];
	s6 =	sor.u32 s6, s5  }
0x5: {  	s8 =	rddreg [dreg:$0x2];
	s2 =	simm.s32 $0x0;
	s5 =	sshll.u32 s6, $0x8  }
0x6: {  	[smem:$0x7FF] =	sst s2;
	s6 =	sshrl.u32 s6, $0x3;
	s7 =	sadd.s32 s1, s5  }
0x7: {  	_ =	strace $0x80000047;
	s4 =	sadd.s32 s4, s6;
	[dreg:$0x4] =	wrdreg s7  }
0x8: {  	s9 =	sor.u32 $0x800, s5;
	s6 =	sadd.s32 s8, s5;
	[dreg:$0xb] =	wrdreg s4  }
0x9: {  	s10 =	sor.u32 $0x1000, s5;
	s22 =	sadd.s32 s1, s9;
	[dreg:$0xc] =	wrdreg s6  }
0xa: {  	s11 =	sor.u32 $0x1800, s5;
	s23 =	sadd.s32 s1, s10;
	[dreg:$0x5] =	wrdreg s22  }
0xb: {  	s12 =	sor.u32 $0x2000, s5;
	s24 =	sadd.s32 s1, s11;
	[dreg:$0x6] =	wrdreg s23  }
0xc: {  	s13 =	sor.u32 $0x2800, s5;
	s25 =	sadd.s32 s1, s12;
	[dreg:$0x7] =	wrdreg s24  }
0xd: {  	s14 =	sor.u32 $0x3000, s5;
	s26 =	sadd.s32 s1, s13;
	[dreg:$0x8] =	wrdreg s25  }
0xe: {  	s0 =	sadd.s32 s1, s14;
	[dreg:$0x9] =	wrdreg s26  }
0xf: {  	s7 =	sadd.s32 s8, s9;
	[dreg:$0xa] =	wrdreg s0  }
0x10: {  	s9 =	sadd.s32 s8, s10;
	[dreg:$0xd] =	wrdreg s7  }
0x11: {  	s10 =	sadd.s32 s8, s11;
	[dreg:$0xe] =	wrdreg s9  }
0x12: {  	s11 =	sadd.s32 s8, s12;
	[dreg:$0xf] =	wrdreg s10  }
0x13: {  	s12 =	sadd.s32 s8, s13;
	[dreg:$0x10] =	wrdreg s11  }
0x14: {  	s17 =	sor.u32 $0x4000, s5;
	s16 =	sadd.s32 s8, s14;
	[dreg:$0x11] =	wrdreg s12  }
0x15: {  	s20 =	sor.u32 $0x4800, s5;
	s18 =	sadd.s32 s1, s17;
	[dreg:$0x13] =	wrdreg s16  }
0x16: {  	s13 =	sor.u32 $0x3800, s5;
	s21 =	sadd.s32 s1, s20;
	[dreg:$0x14] =	wrdreg s18  }
0x17: {  	s15 =	sadd.s32 s1, s13;
	[dreg:$0x16] =	wrdreg s21  }
0x18: {  	s19 =	sadd.s32 s8, s13;
	[dreg:$0x12] =	wrdreg s15  }
0x19: {  	s22 =	sadd.s32 s8, s17;
	[dreg:$0x15] =	wrdreg s19  }
0x1a: {  	s23 =	sor.u32 $0x5000, s5;
	s25 =	sadd.s32 s8, s20;
	[dreg:$0x17] =	wrdreg s22  }
0x1b: {  	s26 =	sor.u32 $0x5800, s5;
	s24 =	sadd.s32 s1, s23;
	[dreg:$0x19] =	wrdreg s25  }
0x1c: {  	s0 =	sadd.s32 s1, s26;
	[dreg:$0x18] =	wrdreg s24  }
0x1d: {  	s9 =	sor.u32 $0x6000, s5;
	s7 =	sadd.s32 s8, s23;
	[dreg:$0x1a] =	wrdreg s0  }
0x1e: {  	s10 =	sadd.s32 s1, s9;
	[dreg:$0x1b] =	wrdreg s7  }
0x1f: {  	s12 =	sor.u32 $0x6800, s5;
	s11 =	sadd.s32 s8, s26;
	[dreg:$0x1c] =	wrdreg s10  }
0x20: {  	s13 =	sadd.s32 s1, s12;
	[dreg:$0x1d] =	wrdreg s11  }
0x21: {  	s14 =	sadd.s32 s8, s9;
	[dreg:$0x1e] =	wrdreg s13  }
0x22: {  	s18 =	sor.u32 $0x7800, s5;
	s17 =	sadd.s32 s8, s12;
	[dreg:$0x1f] =	wrdreg s14  }
0x23: {  	s21 =	sor.u32 $0x8000, s5;
	s19 =	sadd.s32 s1, s18;
	[smem:$0x7DF] =	sst s17  }
0x24: {  	s28 =	simm.s32 $0xA;
	s22 =	sadd.s32 s1, s21;
	[smem:$0x7E0] =	sst s19  }
0x25: {  	s29 =	simm.s32 $0xB;
	s23 =	sadd.s32 s8, s18;
	[smem:$0x7E2] =	sst s22  }
0x26: {  	s15 =	sor.u32 $0x7000, s5;
	s26 =	sadd.s32 s8, s21;
	[smem:$0x7E3] =	sst s23  }
0x27: {  	s30 =	simm.s32 $0xC;
	s16 =	sadd.s32 s1, s15;
	[smem:$0x7E5] =	sst s26  }
0x28: {  	s20 =	sadd.s32 s8, s15;
	s24 =	sor.u32 $0x8800, s5;
	[smem:$0x7DE] =	sst s16  }
0x29: {  	s0 =	sor.u32 $0x9000, s5;
	[smem:$0x7E1] =	sst s20;
	s25 =	sadd.s32 s1, s24  }
0x2a: {  	s31 =	simm.s32 $0xD;
	s9 =	sadd.s32 s1, s0;
	[smem:$0x7E4] =	sst s25  }
0x2b: {  	s11 =	sor.u32 $0x9800, s5;
	s10 =	sadd.s32 s8, s24;
	[smem:$0x7E6] =	sst s9  }
0x2c: {  	s3 =	ssub.s32 $0x2, s3;
	s12 =	sadd.s32 s1, s11;
	[smem:$0x7E7] =	sst s10  }
0x2d: {  	s14 =	sor.u32 $0xA000, s5;
	s13 =	sadd.s32 s8, s0;
	[smem:$0x7E8] =	sst s12  }
0x2e: {  	s17 =	sor.u32 $0xA800, s5;
	s15 =	sadd.s32 s1, s14;
	[smem:$0x7E9] =	sst s13  }
0x2f: {  	s23 =	sor.u32 $0xB800, s5;
	s16 =	sadd.s32 s8, s11;
	[smem:$0x7EA] =	sst s15  }
0x30: {  	s26 =	sor.u32 $0xC000, s5;
	s18 =	sadd.s32 s1, s17;
	[smem:$0x7EB] =	sst s16  }
0x31: {  	s19 =	sadd.s32 s8, s14;
	s20 =	sor.u32 $0xB000, s5;
	[smem:$0x7EC] =	sst s18  }
0x32: {  	s22 =	sadd.s32 s8, s17;
	s24 =	sadd.s32 s1, s23;
	[smem:$0x7ED] =	sst s19  }
0x33: {  	s0 =	sadd.s32 s1, s26;
	s6 =	sadd.s32 s8, s23;
	[smem:$0x7EF] =	sst s22  }
0x34: {  	s11 =	sadd.s32 s8, s26;
	s26 =	sor.u32 $0xF800, s5;
	[smem:$0x7F0] =	sst s24  }
0x35: {  	s21 =	sadd.s32 s1, s20;
	s25 =	sadd.s32 s8, s20;
	[smem:$0x7F2] =	sst s0  }
0x36: {  	s9 =	sor.u32 $0xC800, s5;
	[smem:$0x7F3] =	sst s6;
	s12 =	sor.u32 $0xD000, s5  }
0x37: {  	[smem:$0x7F5] =	sst s11;
	s15 =	sor.u32 $0xD800, s5;
	s18 =	sor.u32 $0xE000, s5  }
0x38: {  	v0 =	vimm.s32 $0x4380;
	vm0 =	vcmask $0x300;
	s22 =	sshrl.u32 s3, $0x1;
	s24 =	sor.u32 $0xF000, s5;
	[smem:$0x7EE] =	sst s21  }
0x39: {  	vm14 =	vcmask $0x704;
	v0 =	vsel vm0, $0x0, v0;
	s6 =	sadd.s32 s1, s26;
	s11 =	simm.s32 $0x4180;
	[smem:$0x7F1] =	sst s25  }
0x3a: {  	vm15 =	vcmask $0xB08;
	v0 =	vsel vm14, $0x80, v0;
	s10 =	sadd.s32 s1, s9;
	s13 =	sadd.s32 s1, s12;
	s14 =	sadd.s32 s8, s9  }
0x3b: {  	vm4 =	vcmask $0xF0C;
	v0 =	vsel vm15, $0x100, v0;
	s16 =	sadd.s32 s1, s15;
	s17 =	sadd.s32 s8, s12;
	[smem:$0x7F4] =	sst s10  }
0x3c: {  	vm5 =	vcmask $0x1310;
	v0 =	vsel vm4, $0x180, v0;
	s19 =	sadd.s32 s1, s18;
	s20 =	sadd.s32 s8, s15;
	[smem:$0x7F6] =	sst s13  }
0x3d: {  	vm6 =	vcmask $0x1714;
	v0 =	vsel vm5, $0x200, v0;
	s21 =	sor.u32 $0xE800, s5;
	s9 =	ssub.s32 s3, s22;
	[smem:$0x7F7] =	sst s14  }
0x3e: {  	vm7 =	vcmask $0x1B18;
	v0 =	vsel vm6, $0x280, v0;
	s25 =	sadd.s32 s8, s18;
	s4 =	sadd.s32 s1, s24;
	[smem:$0x7F8] =	sst s16  }
0x3f: {  	vm8 =	vcmask $0x1F1C;
	v0 =	vsel vm7, $0x300, v0;
	s7 =	sadd.s32 s8, s24;
	s12 =	simm.s32 $0x8180;
	[smem:$0x7F9] =	sst s17  }
0x40: {  	vm9 =	vcmask $0x2320;
	v0 =	vsel vm8, $0x380, v0;
	s15 =	simm.s32 $0x14180;
	s18 =	simm.s32 $0x1;
	[smem:$0x7FA] =	sst s19  }
0x41: {  	vm10 =	vcmask $0x2724;
	v0 =	vsel vm9, $0x4000, v0;
	s22 =	simm.s32 $0x5;
	s24 =	simm.s32 $0x8;
	[smem:$0x7FB] =	sst s20  }
0x42: {  	vm11 =	vcmask $0x2B28;
	v0 =	vsel vm10, $0x4080, v0;
	s23 =	sadd.s32 s1, s21;
	[smem:$0x7FD] =	sst s25;
	s5 =	sadd.s32 s8, s21  }
0x43: {  	vm12 =	vcmask $0x2F2C;
	v0 =	vsel vm11, $0x4100, v0;
	s8 =	sadd.s32 s8, s26;
	s9 =	smax.u32 s9, $0x1;
	s10 =	simm.s32 $0x180  }
0x44: {  	vm13 =	vcmask $0x3330;
	v0 =	vsel vm12, $0x4180, v0;
	s13 =	simm.s32 $0xC180;
	s14 =	simm.s32 $0x10180;
	s16 =	simm.s32 $0x18180  }
0x45: {  	vm14 =	vcmask $0x3734;
	s17 =	simm.s32 $0xF;
	s19 =	simm.s32 $0x2;
	s20 =	simm.s32 $0x3;
	v0 =	vsel vm13, $0x4200, v0  }
0x46: {  	vm15 =	vcmask $0x3B38;
	s21 =	simm.s32 $0x4;
	s25 =	simm.s32 $0x7;
	s26 =	simm.s32 $0x9;
	v1 =	vsel vm14, $0x4280, v0  }
0x47: {  	v2 =	vimm.f32 $1.030000000e+02;
	s1 =	simm.s32 $0xE;
	[smem:$0x7FC] =	sst s23;
	s23 =	simm.s32 $0x6;
	v0 =	vimm.s32 $0x0;
	v1 =	vsel vm15, $0x4300, v1  }
.LBB2_1:
0x48: {  	s0 =	rddreg [dreg:$0x4]  }
0x49: {  	[tilespmem:s10], [sflag:$0x1] =	stream.linear.gather [hbm4b:s0+s2], $0x4000, $0x38;
	[tilespmem:$0x1C180] =	vst v63  }
0x4a: {  	s3 =	rddreg [dreg:$0x5]  }
0x4b: {  	[tilespmem:s11], [sflag:$0x2] =	stream.linear.gather [hbm4b:s3+s2], $0x4000, $0x38;
	[tilespmem:$0x1C180] =	vst v63  }
0x4c: {  	s0 =	rddreg [dreg:$0x6]  }
0x4d: {  	[tilespmem:s12], [sflag:$0x3] =	stream.linear.gather [hbm4b:s0+s2], $0x4000, $0x38;
	[tilespmem:$0x1C180] =	vst v63  }
0x4e: {  	s3 =	rddreg [dreg:$0x7]  }
0x4f: {  	[tilespmem:s13], [sflag:$0x4] =	stream.linear.gather [hbm4b:s3+s2], $0x4000, $0x38;
	[tilespmem:$0x1C180] =	vst v63  }
0x50: {  	s0 =	rddreg [dreg:$0x8]  }
0x51: {  	[tilespmem:s14], [sflag:$0x5] =	stream.linear.gather [hbm4b:s0+s2], $0x4000, $0x38;
	[tilespmem:$0x1C180] =	vst v63  }
0x52: {  	s3 =	rddreg [dreg:$0x9]  }
0x53: {  	[tilespmem:s15], [sflag:$0x6] =	stream.linear.gather [hbm4b:s3+s2], $0x4000, $0x38;
	[tilespmem:$0x1C180] =	vst v63  }
0x54: {  	s0 =	rddreg [dreg:$0xa]  }
0x55: {  	[tilespmem:s16], [sflag:$0x7] =	stream.linear.gather [hbm4b:s0+s2], $0x4000, $0x38;
	[tilespmem:$0x1C180] =	vst v63  }
0x56: {  	s3 =	rddreg [dreg:$0xb]  }
0x57: {  	[tilespmem:s2], [sflag:$0xF] =	stream.linear.gather [hbm4b:s3+s2], $0x100, $0x38;
	[tilespmem:$0x1C180] =	vst v63  }
0x58: {  	_ =	swait.ge [sflag:s17], $0x100  }
0x59: {  	[sflag:s17] =	ssyncset.done $0x0  }
0x5a: {  	[sflag:s17] =	ssyncadd.s32 $0xFFFFFF00  }
0x5b: {  	[tilespmem:$0x100] =	vst v0  }
0x5c: {  	_ =	swait.ge [sflag:s18], $0x4000  }
0x5d: {  	[sflag:s18] =	ssyncset.done $0x0  }
0x5e: {  	[sflag:s18] =	ssyncadd.s32 $0xFFFFC000  }
0x5f: {  	v3 =	vld [tilespmem:$0x0];
	_ =	sdelay $0x4  }
0x60: {  	v4 =	vshll.u32 v3, $0x3  }
0x61: {  	v3 =	vand.u32 $0x7F, v3;
	v4 =	vand.u32 $0xFFFFFC00, v4  }
0x62: {  	v3 =	vor.u32 v3, v4  }
0x63: {  	v3 =	vadd.s32 v1, v3;
	_ =	sdelay $0x4  }
0x64: {  	s3 =	rddreg [dreg:$0xc];
	[tilespmem:v3+s10+$0x0] =	vst.idx.msk $0xff, v2  }
0x65: {  	[hbm4b:s3+s2] =	stream.linear.scatter [tilespmem:s10], [sflag:$0x8], $0x4000, $0x38;
	[tilespmem:$0x1C180] =	vst v63  }
0x66: {  	_ =	swait.ge [sflag:s19], $0x4000  }
0x67: {  	[sflag:s19] =	ssyncset.done $0x0  }
0x68: {  	[sflag:s19] =	ssyncadd.s32 $0xFFFFC000  }
0x69: {  	v3 =	vld [tilespmem:$0x8];
	_ =	sdelay $0x4  }
0x6a: {  	v33 =	vshll.u32 v3, $0x3  }
0x6b: {  	v3 =	vand.u32 $0x7F, v3;
	v4 =	vand.u32 $0xFFFFFC00, v33  }
0x6c: {  	v3 =	vor.u32 v3, v4  }
0x6d: {  	v3 =	vadd.s32 v1, v3;
	_ =	sdelay $0x4  }
0x6e: {  	s3 =	rddreg [dreg:$0xd];
	[tilespmem:v3+s11+$0x0] =	vst.idx.msk $0xff, v2  }
0x6f: {  	[hbm4b:s3+s2] =	stream.linear.scatter [tilespmem:s11], [sflag:$0x9], $0x4000, $0x38;
	[tilespmem:$0x1C180] =	vst v63  }
0x70: {  	_ =	swait.ge [sflag:s20], $0x4000  }
0x71: {  	[sflag:s20] =	ssyncset.done $0x0  }
0x72: {  	[sflag:s20] =	ssyncadd.s32 $0xFFFFC000  }
0x73: {  	v3 =	vld [tilespmem:$0x10];
	_ =	sdelay $0x4  }
0x74: {  	v34 =	vshll.u32 v3, $0x3  }
0x75: {  	v3 =	vand.u32 $0x7F, v3;
	v4 =	vand.u32 $0xFFFFFC00, v34  }
0x76: {  	v3 =	vor.u32 v3, v4  }
0x77: {  	v3 =	vadd.s32 v1, v3;
	_ =	sdelay $0x4  }
0x78: {  	s3 =	rddreg [dreg:$0xe];
	[tilespmem:v3+s12+$0x0] =	vst.idx.msk $0xff, v2  }
0x79: {  	[hbm4b:s3+s2] =	stream.linear.scatter [tilespmem:s12], [sflag:$0xA], $0x4000, $0x38;
	[tilespmem:$0x1C180] =	vst v63  }
0x7a: {  	_ =	swait.ge [sflag:s21], $0x4000  }
0x7b: {  	[sflag:s21] =	ssyncset.done $0x0  }
0x7c: {  	[sflag:s21] =	ssyncadd.s32 $0xFFFFC000  }
0x7d: {  	v3 =	vld [tilespmem:$0x18];
	_ =	sdelay $0x4  }
0x7e: {  	v35 =	vshll.u32 v3, $0x3  }
0x7f: {  	v3 =	vand.u32 $0x7F, v3;
	v4 =	vand.u32 $0xFFFFFC00, v35  }
0x80: {  	v3 =	vor.u32 v3, v4  }
0x81: {  	v3 =	vadd.s32 v1, v3;
	_ =	sdelay $0x4  }
0x82: {  	s3 =	rddreg [dreg:$0xf];
	[tilespmem:v3+s13+$0x0] =	vst.idx.msk $0xff, v2  }
0x83: {  	[hbm4b:s3+s2] =	stream.linear.scatter [tilespmem:s13], [sflag:$0xB], $0x4000, $0x38;
	[tilespmem:$0x1C180] =	vst v63  }
0x84: {  	_ =	swait.ge [sflag:s22], $0x4000  }
0x85: {  	[sflag:s22] =	ssyncset.done $0x0  }
0x86: {  	[sflag:s22] =	ssyncadd.s32 $0xFFFFC000  }
0x87: {  	v3 =	vld [tilespmem:$0x20];
	_ =	sdelay $0x4  }
0x88: {  	v36 =	vshll.u32 v3, $0x3  }
0x89: {  	v3 =	vand.u32 $0x7F, v3;
	v4 =	vand.u32 $0xFFFFFC00, v36  }
0x8a: {  	v3 =	vor.u32 v3, v4  }
0x8b: {  	v3 =	vadd.s32 v1, v3;
	_ =	sdelay $0x4  }
0x8c: {  	s3 =	rddreg [dreg:$0x10];
	[tilespmem:v3+s14+$0x0] =	vst.idx.msk $0xff, v2  }
0x8d: {  	[hbm4b:s3+s2] =	stream.linear.scatter [tilespmem:s14], [sflag:$0xC], $0x4000, $0x38;
	[tilespmem:$0x1C180] =	vst v63  }
0x8e: {  	_ =	swait.ge [sflag:s23], $0x4000  }
0x8f: {  	[sflag:s23] =	ssyncset.done $0x0  }
0x90: {  	[sflag:s23] =	ssyncadd.s32 $0xFFFFC000  }
0x91: {  	v3 =	vld [tilespmem:$0x28];
	_ =	sdelay $0x4  }
0x92: {  	v37 =	vshll.u32 v3, $0x3  }
0x93: {  	v3 =	vand.u32 $0x7F, v3;
	v4 =	vand.u32 $0xFFFFFC00, v37  }
0x94: {  	v3 =	vor.u32 v3, v4  }
0x95: {  	v3 =	vadd.s32 v1, v3;
	_ =	sdelay $0x4  }
0x96: {  	s3 =	rddreg [dreg:$0x11];
	[tilespmem:v3+s15+$0x0] =	vst.idx.msk $0xff, v2  }
0x97: {  	[hbm4b:s3+s2] =	stream.linear.scatter [tilespmem:s15], [sflag:$0xD], $0x4000, $0x38;
	[tilespmem:$0x1C180] =	vst v63  }
0x98: {  	_ =	swait.ge [sflag:s24], $0x4000  }
0x99: {  	[sflag:s24] =	ssyncset.done $0x0  }
0x9a: {  	s3 =	rddreg [dreg:$0x12];
	[sflag:s24] =	ssyncadd.s32 $0xFFFFC000  }
0x9b: {  	[tilespmem:s10], [sflag:$0x1] =	stream.linear.gather [hbm4b:s3+s2], $0x4000, $0x38;
	[tilespmem:$0x1C180] =	vst v63  }
0x9c: {  	_ =	swait.ge [sflag:s25], $0x4000  }
0x9d: {  	[sflag:s25] =	ssyncset.done $0x0  }
0x9e: {  	[sflag:s25] =	ssyncadd.s32 $0xFFFFC000  }
0x9f: {  	v3 =	vld [tilespmem:$0x30];
	_ =	sdelay $0x4  }
0xa0: {  	v38 =	vshll.u32 v3, $0x3  }
0xa1: {  	v3 =	vand.u32 $0x7F, v3;
	v4 =	vand.u32 $0xFFFFFC00, v38  }
0xa2: {  	v3 =	vor.u32 v3, v4  }
0xa3: {  	v3 =	vadd.s32 v1, v3;
	_ =	sdelay $0x4  }
0xa4: {  	s3 =	rddreg [dreg:$0x13];
	[tilespmem:v3+s16+$0x0] =	vst.idx.msk $0xff, v2  }
0xa5: {  	[hbm4b:s3+s2] =	stream.linear.scatter [tilespmem:s16], [sflag:$0xE], $0x4000, $0x38;
	[tilespmem:$0x1C180] =	vst v63  }
0xa6: {  	_ =	swait.ge [sflag:s26], $0x4000  }
0xa7: {  	[sflag:s26] =	ssyncset.done $0x0  }
0xa8: {  	s3 =	rddreg [dreg:$0x14];
	[sflag:s26] =	ssyncadd.s32 $0xFFFFC000  }
0xa9: {  	[tilespmem:s11], [sflag:$0x2] =	stream.linear.gather [hbm4b:s3+s2], $0x4000, $0x38;
	[tilespmem:$0x1C180] =	vst v63  }
0xaa: {  	_ =	swait.ge [sflag:s18], $0x4000  }
0xab: {  	[sflag:s18] =	ssyncset.done $0x0  }
0xac: {  	[sflag:s18] =	ssyncadd.s32 $0xFFFFC000  }
0xad: {  	v3 =	vld [tilespmem:$0x38];
	_ =	sdelay $0x4  }
0xae: {  	v39 =	vshll.u32 v3, $0x3  }
0xaf: {  	v3 =	vand.u32 $0x7F, v3;
	v4 =	vand.u32 $0xFFFFFC00, v39  }
0xb0: {  	v3 =	vor.u32 v3, v4  }
0xb1: {  	v3 =	vadd.s32 v1, v3;
	_ =	sdelay $0x4  }
0xb2: {  	s3 =	rddreg [dreg:$0x15];
	[tilespmem:v3+s10+$0x0] =	vst.idx.msk $0xff, v2  }
0xb3: {  	[hbm4b:s3+s2] =	stream.linear.scatter [tilespmem:s10], [sflag:$0x8], $0x4000, $0x38;
	[tilespmem:$0x1C180] =	vst v63  }
0xb4: {  	_ =	swait.ge [sflag:s28], $0x4000  }
0xb5: {  	[sflag:s28] =	ssyncset.done $0x0  }
0xb6: {  	s3 =	rddreg [dreg:$0x16];
	[sflag:s28] =	ssyncadd.s32 $0xFFFFC000  }
0xb7: {  	[tilespmem:s12], [sflag:$0x3] =	stream.linear.gather [hbm4b:s3+s2], $0x4000, $0x38;
	[tilespmem:$0x1C180] =	vst v63  }
0xb8: {  	_ =	swait.ge [sflag:s19], $0x4000  }
0xb9: {  	[sflag:s19] =	ssyncset.done $0x0  }
0xba: {  	[sflag:s19] =	ssyncadd.s32 $0xFFFFC000  }
0xbb: {  	v3 =	vld [tilespmem:$0x40];
	_ =	sdelay $0x4  }
0xbc: {  	v40 =	vshll.u32 v3, $0x3  }
0xbd: {  	v3 =	vand.u32 $0x7F, v3;
	v4 =	vand.u32 $0xFFFFFC00, v40  }
0xbe: {  	v3 =	vor.u32 v3, v4  }
0xbf: {  	v3 =	vadd.s32 v1, v3;
	_ =	sdelay $0x4  }
0xc0: {  	s3 =	rddreg [dreg:$0x17];
	[tilespmem:v3+s11+$0x0] =	vst.idx.msk $0xff, v2  }
0xc1: {  	[hbm4b:s3+s2] =	stream.linear.scatter [tilespmem:s11], [sflag:$0x9], $0x4000, $0x38;
	[tilespmem:$0x1C180] =	vst v63  }
0xc2: {  	_ =	swait.ge [sflag:s29], $0x4000  }
0xc3: {  	[sflag:s29] =	ssyncset.done $0x0  }
0xc4: {  	s3 =	rddreg [dreg:$0x18];
	[sflag:s29] =	ssyncadd.s32 $0xFFFFC000  }
0xc5: {  	[tilespmem:s13], [sflag:$0x4] =	stream.linear.gather [hbm4b:s3+s2], $0x4000, $0x38;
	[tilespmem:$0x1C180] =	vst v63  }
0xc6: {  	_ =	swait.ge [sflag:s20], $0x4000  }
0xc7: {  	[sflag:s20] =	ssyncset.done $0x0  }
0xc8: {  	[sflag:s20] =	ssyncadd.s32 $0xFFFFC000  }
0xc9: {  	v3 =	vld [tilespmem:$0x48];
	_ =	sdelay $0x4  }
0xca: {  	v41 =	vshll.u32 v3, $0x3  }
0xcb: {  	v3 =	vand.u32 $0x7F, v3;
	v4 =	vand.u32 $0xFFFFFC00, v41  }
0xcc: {  	v3 =	vor.u32 v3, v4  }
0xcd: {  	v3 =	vadd.s32 v1, v3;
	_ =	sdelay $0x4  }
0xce: {  	s3 =	rddreg [dreg:$0x19];
	[tilespmem:v3+s12+$0x0] =	vst.idx.msk $0xff, v2  }
0xcf: {  	[hbm4b:s3+s2] =	stream.linear.scatter [tilespmem:s12], [sflag:$0xA], $0x4000, $0x38;
	[tilespmem:$0x1C180] =	vst v63  }
0xd0: {  	_ =	swait.ge [sflag:s30], $0x4000  }
0xd1: {  	[sflag:s30] =	ssyncset.done $0x0  }
0xd2: {  	s3 =	rddreg [dreg:$0x1a];
	[sflag:s30] =	ssyncadd.s32 $0xFFFFC000  }
0xd3: {  	[tilespmem:s14], [sflag:$0x5] =	stream.linear.gather [hbm4b:s3+s2], $0x4000, $0x38;
	[tilespmem:$0x1C180] =	vst v63  }
0xd4: {  	_ =	swait.ge [sflag:s21], $0x4000  }
0xd5: {  	[sflag:s21] =	ssyncset.done $0x0  }
0xd6: {  	[sflag:s21] =	ssyncadd.s32 $0xFFFFC000  }
0xd7: {  	v3 =	vld [tilespmem:$0x50];
	_ =	sdelay $0x4  }
0xd8: {  	v42 =	vshll.u32 v3, $0x3  }
0xd9: {  	v3 =	vand.u32 $0x7F, v3;
	v4 =	vand.u32 $0xFFFFFC00, v42  }
0xda: {  	v3 =	vor.u32 v3, v4  }
0xdb: {  	v3 =	vadd.s32 v1, v3;
	_ =	sdelay $0x4  }
0xdc: {  	s3 =	rddreg [dreg:$0x1b];
	[tilespmem:v3+s13+$0x0] =	vst.idx.msk $0xff, v2  }
0xdd: {  	[hbm4b:s3+s2] =	stream.linear.scatter [tilespmem:s13], [sflag:$0xB], $0x4000, $0x38;
	[tilespmem:$0x1C180] =	vst v63  }
0xde: {  	_ =	swait.ge [sflag:s31], $0x4000  }
0xdf: {  	[sflag:s31] =	ssyncset.done $0x0  }
0xe0: {  	s3 =	rddreg [dreg:$0x1c];
	[sflag:s31] =	ssyncadd.s32 $0xFFFFC000  }
0xe1: {  	[tilespmem:s15], [sflag:$0x6] =	stream.linear.gather [hbm4b:s3+s2], $0x4000, $0x38;
	[tilespmem:$0x1C180] =	vst v63  }
0xe2: {  	_ =	swait.ge [sflag:s22], $0x4000  }
0xe3: {  	[sflag:s22] =	ssyncset.done $0x0  }
0xe4: {  	[sflag:s22] =	ssyncadd.s32 $0xFFFFC000  }
0xe5: {  	v3 =	vld [tilespmem:$0x58];
	_ =	sdelay $0x4  }
0xe6: {  	v43 =	vshll.u32 v3, $0x3  }
0xe7: {  	v3 =	vand.u32 $0x7F, v3;
	v4 =	vand.u32 $0xFFFFFC00, v43  }
0xe8: {  	v3 =	vor.u32 v3, v4  }
0xe9: {  	v3 =	vadd.s32 v1, v3;
	_ =	sdelay $0x4  }
0xea: {  	s3 =	rddreg [dreg:$0x1d];
	[tilespmem:v3+s14+$0x0] =	vst.idx.msk $0xff, v2  }
0xeb: {  	[hbm4b:s3+s2] =	stream.linear.scatter [tilespmem:s14], [sflag:$0xC], $0x4000, $0x38;
	[tilespmem:$0x1C180] =	vst v63  }
0xec: {  	_ =	swait.ge [sflag:s1], $0x4000  }
0xed: {  	[sflag:s1] =	ssyncset.done $0x0  }
0xee: {  	s3 =	rddreg [dreg:$0x1e];
	[sflag:s1] =	ssyncadd.s32 $0xFFFFC000  }
0xef: {  	[tilespmem:s16], [sflag:$0x7] =	stream.linear.gather [hbm4b:s3+s2], $0x4000, $0x38;
	[tilespmem:$0x1C180] =	vst v63  }
0xf0: {  	_ =	swait.ge [sflag:s23], $0x4000  }
0xf1: {  	[sflag:s23] =	ssyncset.done $0x0  }
0xf2: {  	[sflag:s23] =	ssyncadd.s32 $0xFFFFC000  }
0xf3: {  	v3 =	vld [tilespmem:$0x60];
	_ =	sdelay $0x4  }
0xf4: {  	v44 =	vshll.u32 v3, $0x3  }
0xf5: {  	v3 =	vand.u32 $0x7F, v3;
	v4 =	vand.u32 $0xFFFFFC00, v44  }
0xf6: {  	v3 =	vor.u32 v3, v4  }
0xf7: {  	v3 =	vadd.s32 v1, v3;
	_ =	sdelay $0x4  }
0xf8: {  	s3 =	rddreg [dreg:$0x1f];
	[tilespmem:v3+s15+$0x0] =	vst.idx.msk $0xff, v2  }
0xf9: {  	[hbm4b:s3+s2] =	stream.linear.scatter [tilespmem:s15], [sflag:$0xD], $0x4000, $0x38;
	[tilespmem:$0x1C180] =	vst v63  }
0xfa: {  	_ =	swait.ge [sflag:s24], $0x4000  }
0xfb: {  	s3 =	sld [smem:$0x7DE]  }
0xfc: {  	[sflag:s24] =	ssyncset.done $0x0  }
0xfd: {  	[sflag:s24] =	ssyncadd.s32 $0xFFFFC000  }
0xfe: {  	[tilespmem:s10], [sflag:$0x1] =	stream.linear.gather [hbm4b:s3+s2], $0x4000, $0x38;
	[tilespmem:$0x1C180] =	vst v63  }
0xff: {  	_ =	swait.ge [sflag:s25], $0x4000  }
0x100: {  	[sflag:s25] =	ssyncset.done $0x0  }
0x101: {  	[sflag:s25] =	ssyncadd.s32 $0xFFFFC000  }
0x102: {  	v3 =	vld [tilespmem:$0x68];
	_ =	sdelay $0x4  }
0x103: {  	v45 =	vshll.u32 v3, $0x3  }
0x104: {  	v3 =	vand.u32 $0x7F, v3;
	v4 =	vand.u32 $0xFFFFFC00, v45  }
0x105: {  	v3 =	vor.u32 v3, v4  }
0x106: {  	v3 =	vadd.s32 v1, v3;
	_ =	sdelay $0x2  }
0x107: {  	s3 =	sld [smem:$0x7DF];
	_ =	sdelay $0x1  }
0x108: {  	[tilespmem:v3+s16+$0x0] =	vst.idx.msk $0xff, v2  }
0x109: {  	[hbm4b:s3+s2] =	stream.linear.scatter [tilespmem:s16], [sflag:$0xE], $0x4000, $0x38;
	[tilespmem:$0x1C180] =	vst v63  }
0x10a: {  	_ =	swait.ge [sflag:s26], $0x4000  }
0x10b: {  	s3 =	sld [smem:$0x7E0]  }
0x10c: {  	[sflag:s26] =	ssyncset.done $0x0  }
0x10d: {  	[sflag:s26] =	ssyncadd.s32 $0xFFFFC000  }
0x10e: {  	[tilespmem:s11], [sflag:$0x2] =	stream.linear.gather [hbm4b:s3+s2], $0x4000, $0x38;
	[tilespmem:$0x1C180] =	vst v63  }
0x10f: {  	_ =	swait.ge [sflag:s18], $0x4000  }
0x110: {  	[sflag:s18] =	ssyncset.done $0x0  }
0x111: {  	[sflag:s18] =	ssyncadd.s32 $0xFFFFC000  }
0x112: {  	v3 =	vld [tilespmem:$0x70];
	_ =	sdelay $0x4  }
0x113: {  	v46 =	vshll.u32 v3, $0x3  }
0x114: {  	v3 =	vand.u32 $0x7F, v3;
	v4 =	vand.u32 $0xFFFFFC00, v46  }
0x115: {  	v3 =	vor.u32 v3, v4  }
0x116: {  	v3 =	vadd.s32 v1, v3;
	_ =	sdelay $0x2  }
0x117: {  	s3 =	sld [smem:$0x7E1];
	_ =	sdelay $0x1  }
0x118: {  	[tilespmem:v3+s10+$0x0] =	vst.idx.msk $0xff, v2  }
0x119: {  	[hbm4b:s3+s2] =	stream.linear.scatter [tilespmem:s10], [sflag:$0x8], $0x4000, $0x38;
	[tilespmem:$0x1C180] =	vst v63  }
0x11a: {  	_ =	swait.ge [sflag:s28], $0x4000  }
0x11b: {  	s3 =	sld [smem:$0x7E2]  }
0x11c: {  	[sflag:s28] =	ssyncset.done $0x0  }
0x11d: {  	[sflag:s28] =	ssyncadd.s32 $0xFFFFC000  }
0x11e: {  	[tilespmem:s12], [sflag:$0x3] =	stream.linear.gather [hbm4b:s3+s2], $0x4000, $0x38;
	[tilespmem:$0x1C180] =	vst v63  }
0x11f: {  	_ =	swait.ge [sflag:s19], $0x4000  }
0x120: {  	[sflag:s19] =	ssyncset.done $0x0  }
0x121: {  	[sflag:s19] =	ssyncadd.s32 $0xFFFFC000  }
0x122: {  	v3 =	vld [tilespmem:$0x78];
	_ =	sdelay $0x4  }
0x123: {  	v47 =	vshll.u32 v3, $0x3  }
0x124: {  	v3 =	vand.u32 $0x7F, v3;
	v4 =	vand.u32 $0xFFFFFC00, v47  }
0x125: {  	v3 =	vor.u32 v3, v4  }
0x126: {  	v3 =	vadd.s32 v1, v3;
	_ =	sdelay $0x2  }
0x127: {  	s3 =	sld [smem:$0x7E3];
	_ =	sdelay $0x1  }
0x128: {  	[tilespmem:v3+s11+$0x0] =	vst.idx.msk $0xff, v2  }
0x129: {  	[hbm4b:s3+s2] =	stream.linear.scatter [tilespmem:s11], [sflag:$0x9], $0x4000, $0x38;
	[tilespmem:$0x1C180] =	vst v63  }
0x12a: {  	_ =	swait.ge [sflag:s29], $0x4000  }
0x12b: {  	s3 =	sld [smem:$0x7E4]  }
0x12c: {  	[sflag:s29] =	ssyncset.done $0x0  }
0x12d: {  	[sflag:s29] =	ssyncadd.s32 $0xFFFFC000  }
0x12e: {  	[tilespmem:s13], [sflag:$0x4] =	stream.linear.gather [hbm4b:s3+s2], $0x4000, $0x38;
	[tilespmem:$0x1C180] =	vst v63  }
0x12f: {  	_ =	swait.ge [sflag:s20], $0x4000  }
0x130: {  	[sflag:s20] =	ssyncset.done $0x0  }
0x131: {  	[sflag:s20] =	ssyncadd.s32 $0xFFFFC000  }
0x132: {  	v3 =	vld [tilespmem:$0x80];
	_ =	sdelay $0x4  }
0x133: {  	v48 =	vshll.u32 v3, $0x3  }
0x134: {  	v3 =	vand.u32 $0x7F, v3;
	v4 =	vand.u32 $0xFFFFFC00, v48  }
0x135: {  	v3 =	vor.u32 v3, v4  }
0x136: {  	v3 =	vadd.s32 v1, v3;
	_ =	sdelay $0x2  }
0x137: {  	s3 =	sld [smem:$0x7E5];
	_ =	sdelay $0x1  }
0x138: {  	[tilespmem:v3+s12+$0x0] =	vst.idx.msk $0xff, v2  }
0x139: {  	[hbm4b:s3+s2] =	stream.linear.scatter [tilespmem:s12], [sflag:$0xA], $0x4000, $0x38;
	[tilespmem:$0x1C180] =	vst v63  }
0x13a: {  	_ =	swait.ge [sflag:s30], $0x4000  }
0x13b: {  	s3 =	sld [smem:$0x7E6]  }
0x13c: {  	[sflag:s30] =	ssyncset.done $0x0  }
0x13d: {  	[sflag:s30] =	ssyncadd.s32 $0xFFFFC000  }
0x13e: {  	[tilespmem:s14], [sflag:$0x5] =	stream.linear.gather [hbm4b:s3+s2], $0x4000, $0x38;
	[tilespmem:$0x1C180] =	vst v63  }
0x13f: {  	_ =	swait.ge [sflag:s21], $0x4000  }
0x140: {  	[sflag:s21] =	ssyncset.done $0x0  }
0x141: {  	[sflag:s21] =	ssyncadd.s32 $0xFFFFC000  }
0x142: {  	v3 =	vld [tilespmem:$0x88];
	_ =	sdelay $0x4  }
0x143: {  	v49 =	vshll.u32 v3, $0x3  }
0x144: {  	v3 =	vand.u32 $0x7F, v3;
	v4 =	vand.u32 $0xFFFFFC00, v49  }
0x145: {  	v3 =	vor.u32 v3, v4  }
0x146: {  	v3 =	vadd.s32 v1, v3;
	_ =	sdelay $0x2  }
0x147: {  	s3 =	sld [smem:$0x7E7];
	_ =	sdelay $0x1  }
0x148: {  	[tilespmem:v3+s13+$0x0] =	vst.idx.msk $0xff, v2  }
0x149: {  	[hbm4b:s3+s2] =	stream.linear.scatter [tilespmem:s13], [sflag:$0xB], $0x4000, $0x38;
	[tilespmem:$0x1C180] =	vst v63  }
0x14a: {  	_ =	swait.ge [sflag:s31], $0x4000  }
0x14b: {  	s3 =	sld [smem:$0x7E8]  }
0x14c: {  	[sflag:s31] =	ssyncset.done $0x0  }
0x14d: {  	[sflag:s31] =	ssyncadd.s32 $0xFFFFC000  }
0x14e: {  	[tilespmem:s15], [sflag:$0x6] =	stream.linear.gather [hbm4b:s3+s2], $0x4000, $0x38;
	[tilespmem:$0x1C180] =	vst v63  }
0x14f: {  	_ =	swait.ge [sflag:s22], $0x4000  }
0x150: {  	[sflag:s22] =	ssyncset.done $0x0  }
0x151: {  	[sflag:s22] =	ssyncadd.s32 $0xFFFFC000  }
0x152: {  	v3 =	vld [tilespmem:$0x90];
	_ =	sdelay $0x4  }
0x153: {  	v50 =	vshll.u32 v3, $0x3  }
0x154: {  	v3 =	vand.u32 $0x7F, v3;
	v4 =	vand.u32 $0xFFFFFC00, v50  }
0x155: {  	v3 =	vor.u32 v3, v4  }
0x156: {  	v3 =	vadd.s32 v1, v3;
	_ =	sdelay $0x2  }
0x157: {  	s3 =	sld [smem:$0x7E9];
	_ =	sdelay $0x1  }
0x158: {  	[tilespmem:v3+s14+$0x0] =	vst.idx.msk $0xff, v2  }
0x159: {  	[hbm4b:s3+s2] =	stream.linear.scatter [tilespmem:s14], [sflag:$0xC], $0x4000, $0x38;
	[tilespmem:$0x1C180] =	vst v63  }
0x15a: {  	_ =	swait.ge [sflag:s1], $0x4000  }
0x15b: {  	s3 =	sld [smem:$0x7EA]  }
0x15c: {  	[sflag:s1] =	ssyncset.done $0x0  }
0x15d: {  	[sflag:s1] =	ssyncadd.s32 $0xFFFFC000  }
0x15e: {  	[tilespmem:s16], [sflag:$0x7] =	stream.linear.gather [hbm4b:s3+s2], $0x4000, $0x38;
	[tilespmem:$0x1C180] =	vst v63  }
0x15f: {  	_ =	swait.ge [sflag:s23], $0x4000  }
0x160: {  	[sflag:s23] =	ssyncset.done $0x0  }
0x161: {  	[sflag:s23] =	ssyncadd.s32 $0xFFFFC000  }
0x162: {  	v3 =	vld [tilespmem:$0x98];
	_ =	sdelay $0x4  }
0x163: {  	v51 =	vshll.u32 v3, $0x3  }
0x164: {  	v3 =	vand.u32 $0x7F, v3;
	v4 =	vand.u32 $0xFFFFFC00, v51  }
0x165: {  	v3 =	vor.u32 v3, v4  }
0x166: {  	v3 =	vadd.s32 v1, v3;
	_ =	sdelay $0x2  }
0x167: {  	s3 =	sld [smem:$0x7EB];
	_ =	sdelay $0x1  }
0x168: {  	[tilespmem:v3+s15+$0x0] =	vst.idx.msk $0xff, v2  }
0x169: {  	[hbm4b:s3+s2] =	stream.linear.scatter [tilespmem:s15], [sflag:$0xD], $0x4000, $0x38;
	[tilespmem:$0x1C180] =	vst v63  }
0x16a: {  	_ =	swait.ge [sflag:s24], $0x4000  }
0x16b: {  	s3 =	sld [smem:$0x7EC]  }
0x16c: {  	[sflag:s24] =	ssyncset.done $0x0  }
0x16d: {  	[sflag:s24] =	ssyncadd.s32 $0xFFFFC000  }
0x16e: {  	[tilespmem:s10], [sflag:$0x1] =	stream.linear.gather [hbm4b:s3+s2], $0x4000, $0x38;
	[tilespmem:$0x1C180] =	vst v63  }
0x16f: {  	_ =	swait.ge [sflag:s25], $0x4000  }
0x170: {  	[sflag:s25] =	ssyncset.done $0x0  }
0x171: {  	[sflag:s25] =	ssyncadd.s32 $0xFFFFC000  }
0x172: {  	v3 =	vld [tilespmem:$0xA0];
	_ =	sdelay $0x4  }
0x173: {  	v52 =	vshll.u32 v3, $0x3  }
0x174: {  	v3 =	vand.u32 $0x7F, v3;
	v4 =	vand.u32 $0xFFFFFC00, v52  }
0x175: {  	v3 =	vor.u32 v3, v4  }
0x176: {  	v3 =	vadd.s32 v1, v3;
	_ =	sdelay $0x2  }
0x177: {  	s3 =	sld [smem:$0x7ED];
	_ =	sdelay $0x1  }
0x178: {  	[tilespmem:v3+s16+$0x0] =	vst.idx.msk $0xff, v2  }
0x179: {  	[hbm4b:s3+s2] =	stream.linear.scatter [tilespmem:s16], [sflag:$0xE], $0x4000, $0x38;
	[tilespmem:$0x1C180] =	vst v63  }
0x17a: {  	_ =	swait.ge [sflag:s26], $0x4000  }
0x17b: {  	s3 =	sld [smem:$0x7EE]  }
0x17c: {  	[sflag:s26] =	ssyncset.done $0x0  }
0x17d: {  	[sflag:s26] =	ssyncadd.s32 $0xFFFFC000  }
0x17e: {  	[tilespmem:s11], [sflag:$0x2] =	stream.linear.gather [hbm4b:s3+s2], $0x4000, $0x38;
	[tilespmem:$0x1C180] =	vst v63  }
0x17f: {  	_ =	swait.ge [sflag:s18], $0x4000  }
0x180: {  	[sflag:s18] =	ssyncset.done $0x0  }
0x181: {  	[sflag:s18] =	ssyncadd.s32 $0xFFFFC000  }
0x182: {  	v3 =	vld [tilespmem:$0xA8];
	_ =	sdelay $0x4  }
0x183: {  	v53 =	vshll.u32 v3, $0x3  }
0x184: {  	v3 =	vand.u32 $0x7F, v3;
	v4 =	vand.u32 $0xFFFFFC00, v53  }
0x185: {  	v3 =	vor.u32 v3, v4  }
0x186: {  	v3 =	vadd.s32 v1, v3;
	_ =	sdelay $0x2  }
0x187: {  	s3 =	sld [smem:$0x7EF];
	_ =	sdelay $0x1  }
0x188: {  	[tilespmem:v3+s10+$0x0] =	vst.idx.msk $0xff, v2  }
0x189: {  	[hbm4b:s3+s2] =	stream.linear.scatter [tilespmem:s10], [sflag:$0x8], $0x4000, $0x38;
	[tilespmem:$0x1C180] =	vst v63  }
0x18a: {  	_ =	swait.ge [sflag:s28], $0x4000  }
0x18b: {  	s3 =	sld [smem:$0x7F0]  }
0x18c: {  	[sflag:s28] =	ssyncset.done $0x0  }
0x18d: {  	[sflag:s28] =	ssyncadd.s32 $0xFFFFC000  }
0x18e: {  	[tilespmem:s12], [sflag:$0x3] =	stream.linear.gather [hbm4b:s3+s2], $0x4000, $0x38;
	[tilespmem:$0x1C180] =	vst v63  }
0x18f: {  	_ =	swait.ge [sflag:s19], $0x4000  }
0x190: {  	[sflag:s19] =	ssyncset.done $0x0  }
0x191: {  	[sflag:s19] =	ssyncadd.s32 $0xFFFFC000  }
0x192: {  	v3 =	vld [tilespmem:$0xB0];
	_ =	sdelay $0x4  }
0x193: {  	v54 =	vshll.u32 v3, $0x3  }
0x194: {  	v3 =	vand.u32 $0x7F, v3;
	v4 =	vand.u32 $0xFFFFFC00, v54  }
0x195: {  	v3 =	vor.u32 v3, v4  }
0x196: {  	v3 =	vadd.s32 v1, v3;
	_ =	sdelay $0x2  }
0x197: {  	s3 =	sld [smem:$0x7F1];
	_ =	sdelay $0x1  }
0x198: {  	[tilespmem:v3+s11+$0x0] =	vst.idx.msk $0xff, v2  }
0x199: {  	[hbm4b:s3+s2] =	stream.linear.scatter [tilespmem:s11], [sflag:$0x9], $0x4000, $0x38;
	[tilespmem:$0x1C180] =	vst v63  }
0x19a: {  	_ =	swait.ge [sflag:s29], $0x4000  }
0x19b: {  	s3 =	sld [smem:$0x7F2]  }
0x19c: {  	[sflag:s29] =	ssyncset.done $0x0  }
0x19d: {  	[sflag:s29] =	ssyncadd.s32 $0xFFFFC000  }
0x19e: {  	[tilespmem:s13], [sflag:$0x4] =	stream.linear.gather [hbm4b:s3+s2], $0x4000, $0x38;
	[tilespmem:$0x1C180] =	vst v63  }
0x19f: {  	_ =	swait.ge [sflag:s20], $0x4000  }
0x1a0: {  	[sflag:s20] =	ssyncset.done $0x0  }
0x1a1: {  	[sflag:s20] =	ssyncadd.s32 $0xFFFFC000  }
0x1a2: {  	v3 =	vld [tilespmem:$0xB8];
	_ =	sdelay $0x4  }
0x1a3: {  	v55 =	vshll.u32 v3, $0x3  }
0x1a4: {  	v3 =	vand.u32 $0x7F, v3;
	v4 =	vand.u32 $0xFFFFFC00, v55  }
0x1a5: {  	v3 =	vor.u32 v3, v4  }
0x1a6: {  	v3 =	vadd.s32 v1, v3;
	_ =	sdelay $0x2  }
0x1a7: {  	s3 =	sld [smem:$0x7F3];
	_ =	sdelay $0x1  }
0x1a8: {  	[tilespmem:v3+s12+$0x0] =	vst.idx.msk $0xff, v2  }
0x1a9: {  	[hbm4b:s3+s2] =	stream.linear.scatter [tilespmem:s12], [sflag:$0xA], $0x4000, $0x38;
	[tilespmem:$0x1C180] =	vst v63  }
0x1aa: {  	_ =	swait.ge [sflag:s30], $0x4000  }
0x1ab: {  	s3 =	sld [smem:$0x7F4]  }
0x1ac: {  	[sflag:s30] =	ssyncset.done $0x0  }
0x1ad: {  	[sflag:s30] =	ssyncadd.s32 $0xFFFFC000  }
0x1ae: {  	[tilespmem:s14], [sflag:$0x5] =	stream.linear.gather [hbm4b:s3+s2], $0x4000, $0x38;
	[tilespmem:$0x1C180] =	vst v63  }
0x1af: {  	_ =	swait.ge [sflag:s21], $0x4000  }
0x1b0: {  	[sflag:s21] =	ssyncset.done $0x0  }
0x1b1: {  	[sflag:s21] =	ssyncadd.s32 $0xFFFFC000  }
0x1b2: {  	v3 =	vld [tilespmem:$0xC0];
	_ =	sdelay $0x4  }
0x1b3: {  	v56 =	vshll.u32 v3, $0x3  }
0x1b4: {  	v3 =	vand.u32 $0x7F, v3;
	v4 =	vand.u32 $0xFFFFFC00, v56  }
0x1b5: {  	v3 =	vor.u32 v3, v4  }
0x1b6: {  	v3 =	vadd.s32 v1, v3;
	_ =	sdelay $0x2  }
0x1b7: {  	s3 =	sld [smem:$0x7F5];
	_ =	sdelay $0x1  }
0x1b8: {  	[tilespmem:v3+s13+$0x0] =	vst.idx.msk $0xff, v2  }
0x1b9: {  	[hbm4b:s3+s2] =	stream.linear.scatter [tilespmem:s13], [sflag:$0xB], $0x4000, $0x38;
	[tilespmem:$0x1C180] =	vst v63  }
0x1ba: {  	_ =	swait.ge [sflag:s31], $0x4000  }
0x1bb: {  	s3 =	sld [smem:$0x7F6]  }
0x1bc: {  	[sflag:s31] =	ssyncset.done $0x0  }
0x1bd: {  	[sflag:s31] =	ssyncadd.s32 $0xFFFFC000  }
0x1be: {  	[tilespmem:s15], [sflag:$0x6] =	stream.linear.gather [hbm4b:s3+s2], $0x4000, $0x38;
	[tilespmem:$0x1C180] =	vst v63  }
0x1bf: {  	_ =	swait.ge [sflag:s22], $0x4000  }
0x1c0: {  	[sflag:s22] =	ssyncset.done $0x0  }
0x1c1: {  	[sflag:s22] =	ssyncadd.s32 $0xFFFFC000  }
0x1c2: {  	v3 =	vld [tilespmem:$0xC8];
	_ =	sdelay $0x4  }
0x1c3: {  	v57 =	vshll.u32 v3, $0x3  }
0x1c4: {  	v3 =	vand.u32 $0x7F, v3;
	v4 =	vand.u32 $0xFFFFFC00, v57  }
0x1c5: {  	v3 =	vor.u32 v3, v4  }
0x1c6: {  	v3 =	vadd.s32 v1, v3;
	_ =	sdelay $0x2  }
0x1c7: {  	s3 =	sld [smem:$0x7F7];
	_ =	sdelay $0x1  }
0x1c8: {  	[tilespmem:v3+s14+$0x0] =	vst.idx.msk $0xff, v2  }
0x1c9: {  	[hbm4b:s3+s2] =	stream.linear.scatter [tilespmem:s14], [sflag:$0xC], $0x4000, $0x38;
	[tilespmem:$0x1C180] =	vst v63  }
0x1ca: {  	_ =	swait.ge [sflag:s1], $0x4000  }
0x1cb: {  	s3 =	sld [smem:$0x7F8]  }
0x1cc: {  	[sflag:s1] =	ssyncset.done $0x0  }
0x1cd: {  	[sflag:s1] =	ssyncadd.s32 $0xFFFFC000  }
0x1ce: {  	[tilespmem:s16], [sflag:$0x7] =	stream.linear.gather [hbm4b:s3+s2], $0x4000, $0x38;
	[tilespmem:$0x1C180] =	vst v63  }
0x1cf: {  	_ =	swait.ge [sflag:s23], $0x4000  }
0x1d0: {  	[sflag:s23] =	ssyncset.done $0x0  }
0x1d1: {  	[sflag:s23] =	ssyncadd.s32 $0xFFFFC000  }
0x1d2: {  	v3 =	vld [tilespmem:$0xD0];
	_ =	sdelay $0x4  }
0x1d3: {  	v58 =	vshll.u32 v3, $0x3  }
0x1d4: {  	v3 =	vand.u32 $0x7F, v3;
	v4 =	vand.u32 $0xFFFFFC00, v58  }
0x1d5: {  	v3 =	vor.u32 v3, v4  }
0x1d6: {  	v3 =	vadd.s32 v1, v3;
	_ =	sdelay $0x2  }
0x1d7: {  	s3 =	sld [smem:$0x7F9];
	_ =	sdelay $0x1  }
0x1d8: {  	[tilespmem:v3+s15+$0x0] =	vst.idx.msk $0xff, v2  }
0x1d9: {  	[hbm4b:s3+s2] =	stream.linear.scatter [tilespmem:s15], [sflag:$0xD], $0x4000, $0x38;
	[tilespmem:$0x1C180] =	vst v63  }
0x1da: {  	_ =	swait.ge [sflag:s24], $0x4000  }
0x1db: {  	s3 =	sld [smem:$0x7FA]  }
0x1dc: {  	[sflag:s24] =	ssyncset.done $0x0  }
0x1dd: {  	[sflag:s24] =	ssyncadd.s32 $0xFFFFC000  }
0x1de: {  	[tilespmem:s10], [sflag:$0x1] =	stream.linear.gather [hbm4b:s3+s2], $0x4000, $0x38;
	[tilespmem:$0x1C180] =	vst v63  }
0x1df: {  	_ =	swait.ge [sflag:s25], $0x4000  }
0x1e0: {  	[sflag:s25] =	ssyncset.done $0x0  }
0x1e1: {  	[sflag:s25] =	ssyncadd.s32 $0xFFFFC000  }
0x1e2: {  	v3 =	vld [tilespmem:$0xD8];
	_ =	sdelay $0x4  }
0x1e3: {  	v59 =	vshll.u32 v3, $0x3  }
0x1e4: {  	v3 =	vand.u32 $0x7F, v3;
	v4 =	vand.u32 $0xFFFFFC00, v59  }
0x1e5: {  	v3 =	vor.u32 v3, v4  }
0x1e6: {  	v3 =	vadd.s32 v1, v3;
	_ =	sdelay $0x2  }
0x1e7: {  	s3 =	sld [smem:$0x7FB];
	_ =	sdelay $0x1  }
0x1e8: {  	[tilespmem:v3+s16+$0x0] =	vst.idx.msk $0xff, v2  }
0x1e9: {  	[hbm4b:s3+s2] =	stream.linear.scatter [tilespmem:s16], [sflag:$0xE], $0x4000, $0x38;
	[tilespmem:$0x1C180] =	vst v63  }
0x1ea: {  	_ =	swait.ge [sflag:s26], $0x4000  }
0x1eb: {  	s3 =	sld [smem:$0x7FC]  }
0x1ec: {  	[sflag:s26] =	ssyncset.done $0x0  }
0x1ed: {  	[sflag:s26] =	ssyncadd.s32 $0xFFFFC000  }
0x1ee: {  	[tilespmem:s11], [sflag:$0x2] =	stream.linear.gather [hbm4b:s3+s2], $0x4000, $0x38;
	[tilespmem:$0x1C180] =	vst v63  }
0x1ef: {  	_ =	swait.ge [sflag:s18], $0x4000  }
0x1f0: {  	[sflag:s18] =	ssyncset.done $0x0  }
0x1f1: {  	[sflag:s18] =	ssyncadd.s32 $0xFFFFC000  }
0x1f2: {  	v3 =	vld [tilespmem:$0xE0];
	_ =	sdelay $0x4  }
0x1f3: {  	v60 =	vshll.u32 v3, $0x3  }
0x1f4: {  	v3 =	vand.u32 $0x7F, v3;
	v4 =	vand.u32 $0xFFFFFC00, v60  }
0x1f5: {  	v3 =	vor.u32 v3, v4  }
0x1f6: {  	v3 =	vadd.s32 v1, v3;
	_ =	sdelay $0x2  }
0x1f7: {  	s3 =	sld [smem:$0x7FD];
	_ =	sdelay $0x1  }
0x1f8: {  	[tilespmem:v3+s10+$0x0] =	vst.idx.msk $0xff, v2  }
0x1f9: {  	[hbm4b:s3+s2] =	stream.linear.scatter [tilespmem:s10], [sflag:$0x8], $0x4000, $0x38;
	[tilespmem:$0x1C180] =	vst v63  }
0x1fa: {  	_ =	swait.ge [sflag:s28], $0x4000  }
0x1fb: {  	[sflag:s28] =	ssyncset.done $0x0  }
0x1fc: {  	[sflag:s28] =	ssyncadd.s32 $0xFFFFC000  }
0x1fd: {  	[tilespmem:s12], [sflag:$0x3] =	stream.linear.gather [hbm4b:s4+s2], $0x4000, $0x38;
	[tilespmem:$0x1C180] =	vst v63  }
0x1fe: {  	_ =	swait.ge [sflag:s19], $0x4000  }
0x1ff: {  	[sflag:s19] =	ssyncset.done $0x0  }
0x200: {  	[sflag:s19] =	ssyncadd.s32 $0xFFFFC000  }
0x201: {  	v3 =	vld [tilespmem:$0xE8];
	_ =	sdelay $0x4  }
0x202: {  	v61 =	vshll.u32 v3, $0x3  }
0x203: {  	v3 =	vand.u32 $0x7F, v3;
	v4 =	vand.u32 $0xFFFFFC00, v61  }
0x204: {  	v3 =	vor.u32 v3, v4  }
0x205: {  	v3 =	vadd.s32 v1, v3;
	_ =	sdelay $0x4  }
0x206: {  	[tilespmem:v3+s11+$0x0] =	vst.idx.msk $0xff, v2  }
0x207: {  	[hbm4b:s5+s2] =	stream.linear.scatter [tilespmem:s11], [sflag:$0x9], $0x4000, $0x38;
	[tilespmem:$0x1C180] =	vst v63  }
0x208: {  	_ =	swait.ge [sflag:s29], $0x4000  }
0x209: {  	[sflag:s29] =	ssyncset.done $0x0  }
0x20a: {  	[sflag:s29] =	ssyncadd.s32 $0xFFFFC000  }
0x20b: {  	[tilespmem:s13], [sflag:$0x4] =	stream.linear.gather [hbm4b:s6+s2], $0x4000, $0x38;
	[tilespmem:$0x1C180] =	vst v63  }
0x20c: {  	_ =	swait.ge [sflag:s20], $0x4000  }
0x20d: {  	[sflag:s20] =	ssyncset.done $0x0  }
0x20e: {  	[sflag:s20] =	ssyncadd.s32 $0xFFFFC000  }
0x20f: {  	v3 =	vld [tilespmem:$0xF0];
	_ =	sdelay $0x4  }
0x210: {  	v62 =	vshll.u32 v3, $0x3  }
0x211: {  	v3 =	vand.u32 $0x7F, v3;
	v4 =	vand.u32 $0xFFFFFC00, v62  }
0x212: {  	v3 =	vor.u32 v3, v4  }
0x213: {  	v3 =	vadd.s32 v1, v3;
	_ =	sdelay $0x4  }
0x214: {  	[tilespmem:v3+s12+$0x0] =	vst.idx.msk $0xff, v2  }
0x215: {  	[hbm4b:s7+s2] =	stream.linear.scatter [tilespmem:s12], [sflag:$0xA], $0x4000, $0x38;
	[tilespmem:$0x1C180] =	vst v63  }
0x216: {  	_ =	swait.ge [sflag:s21], $0x4000  }
0x217: {  	[sflag:s21] =	ssyncset.done $0x0  }
0x218: {  	[sflag:s21] =	ssyncadd.s32 $0xFFFFC000  }
0x219: {  	v3 =	vld [tilespmem:$0xF8];
	_ =	sdelay $0x4  }
0x21a: {  	v63 =	vshll.u32 v3, $0x3  }
0x21b: {  	v3 =	vand.u32 $0x7F, v3;
	v4 =	vand.u32 $0xFFFFFC00, v63  }
0x21c: {  	v3 =	vor.u32 v3, v4  }
0x21d: {  	v3 =	vadd.s32 v1, v3;
	_ =	sdelay $0x4  }
0x21e: {  	[tilespmem:v3+s13+$0x0] =	vst.idx.msk $0xff, v2  }
0x21f: {  	[hbm4b:s8+s2] =	stream.linear.scatter [tilespmem:s13], [sflag:$0xB], $0x4000, $0x38;
	[tilespmem:$0x1C180] =	vst v63  }
0x220: {  	_ =	swait.ge [sflag:s29], $0x4000  }
0x221: {  	[sflag:s29] =	ssyncset.done $0x0  }
0x222: {  	[sflag:s29] =	ssyncadd.s32 $0xFFFFC000  }
0x223: {  	_ =	swait.ge [sflag:s28], $0x4000  }
0x224: {  	[sflag:s28] =	ssyncset.done $0x0  }
0x225: {  	[sflag:s28] =	ssyncadd.s32 $0xFFFFC000  }
0x226: {  	_ =	swait.ge [sflag:s26], $0x4000  }
0x227: {  	[sflag:s26] =	ssyncset.done $0x0  }
0x228: {  	[sflag:s26] =	ssyncadd.s32 $0xFFFFC000  }
0x229: {  	_ =	swait.ge [sflag:s24], $0x4000  }
0x22a: {  	[sflag:s24] =	ssyncset.done $0x0  }
0x22b: {  	[sflag:s24] =	ssyncadd.s32 $0xFFFFC000  }
0x22c: {  	_ =	swait.ge [sflag:s1], $0x4000  }
0x22d: {  	[sflag:s1] =	ssyncset.done $0x0  }
0x22e: {  	[sflag:s1] =	ssyncadd.s32 $0xFFFFC000  }
0x22f: {  	p0 =	sne.s32 s9, $0x1;
	_ =	swait.ge [sflag:s31], $0x4000  }
.Ltmp0:
0x230: {  	[sflag:s31] =	ssyncset.done $0x0;
	(pc) =	sbr.rel @p0 .LBB2_1-.Ltmp0, $4  }
0x231: {  	[sflag:s31] =	ssyncadd.s32 $0xFFFFC000  }
0x232: {  	_ =	swait.ge [sflag:s30], $0x4000  }
0x233: {  	[sflag:s30] =	ssyncset.done $0x0  }
0x234: {  	s9 =	sadd.s32 $0xFFFFFFFF, s9;
	[sflag:s30] =	ssyncadd.s32 $0xFFFFC000  }
0x235: {  	_ =	sfence.sel $0x180000  }
0x236: {  	[bflag:$0x0] =	sbarrier.arrive $0xFFFF  }
0x237: {  	_ =	strace $0x90000047  }
0x238: {  	s0 =	stileid.u32;
	[bflag:$0x2] =	sbarrier.arrive $0xFFFF  }
0x239: {  	p0 =	sne.s32 s0, $0x0;
	s0 =	rddreg [dreg:$0x3]  }
0x23a: {  	s0 =	sadd.s32 @!p0 $0x100000, s0  }
0x23b: {  	[sflag:s0] =	ssyncadd.tile.s32 @!p0 $0x1;
	_ =	shalt  }
.Lfunc_end2:
_tile_overlayer_lowered:
.L_overlay_start_2:
0x23c: {  	(tag) =	ssettag $0x2  }
0x23d: {  	s0 =	rddreg [dreg:$0x0];
	s2 =	stileid.u32  }
0x23e: {  	s1 =	rddreg [dreg:$0x1];
	p0 =	sne.s32 s2, $0x0  }
0x23f: {  	s3 =	rddreg [dreg:$0x2];
	[bflag:$0x3] =	sbarrier.arrive $0xFFFF;
	s2 =	simm.s32 @!p0 $0x1C0F  }
0x240: {  	[timem:s3], [sflag:s2] =	dma.local @!p0 [hbm:s0], s1  }
0x241: {  	s0 =	simm.s32 @!p0 $0xF  }
0x242: {  	_ =	swait.ge @!p0 [sflag:s0], s1  }
0x243: {  	s1 =	ssub.s32 @!p0 $0x0, s1;
	[sflag:s0] =	ssyncset.done @!p0 $0x0  }
0x244: {  	[sflag:s0] =	ssyncadd.s32 @!p0 s1  }
0x245: {  	[bflag:$0x3] =	sbarrier.arrive $0xFFFF  }
0x246: {  	_ =	shalt  }

</sc_bundles>
